<compile_context>
chip_gen: v7x
topology: tpu7x:2x2x1
jax: 0.10.2.dev20260603
libtpu: 0.0.44.dev20260713+nightly
codegen_flags: <defaults>
</compile_context>

<pallas_src>
import functools

import jax
import jax.numpy as jnp
from jax import lax
from jax.experimental import pallas as pl
from jax.experimental.pallas import tpu as pltpu
from jax.experimental.pallas import tpu_sc as plsc

_BATCH = 4
_ROWS = 8192
_DIM = 256
_NC = 2
_NS = 16
_CHUNK = _ROWS // (_NC * _NS)
_NSUB = 4
_SUB = _CHUNK // _NSUB


def _sc_body(w_hbm, out_hbm, buf, in_sems, out_sems):
    wid = lax.axis_index("s") * _NC + lax.axis_index("c")
    base = wid * _CHUNK
    in_copies = [
        pltpu.make_async_copy(
            w_hbm.at[pl.ds(base + j * _SUB, _SUB)],
            buf.at[j],
            in_sems.at[j],
        )
        for j in range(_NSUB)
    ]
    for c in in_copies:
        c.start()
    out_copies = []
    for j in range(_NSUB):
        in_copies[j].wait()
        for b in range(_BATCH):
            c = pltpu.make_async_copy(
                buf.at[j],
                out_hbm.at[pl.ds(b * _ROWS + base + j * _SUB, _SUB)],
                out_sems.at[j, b],
            )
            c.start()
            out_copies.append(c)
    for c in out_copies:
        c.wait()


def kernel(tokens, W):
    del tokens
    mesh = plsc.VectorSubcoreMesh(core_axis_name="c", subcore_axis_name="s")
    run = functools.partial(
        pl.kernel,
        mesh=mesh,
        out_type=jax.ShapeDtypeStruct((_BATCH * _ROWS, _DIM), jnp.float32),
        scratch_types=[
            pltpu.VMEM((_NSUB, _SUB, _DIM), jnp.float32),
            pltpu.SemaphoreType.DMA((_NSUB,)),
            pltpu.SemaphoreType.DMA((_NSUB, _BATCH)),
        ],
    )(_sc_body)
    out2d = run(W)
    return out2d.reshape(_BATCH, _ROWS, _DIM)

# --- scband reference (transcript-rebuilt; emitter-appended) ---
"""Pipeline reference for scband-positional-embedding-11811160064162 (READ-ONLY COPY).

The authoritative reference and input builder live on the scoring server;
editing this copy changes nothing except your own understanding.
"""

import jax, jax.numpy as jnp
import numpy as np

SEQUENCE_LEN = 8192
EMBEDDING_DIM = 256

def setup_inputs(seed: int = 0) -> dict:
    key = jax.random.key(seed)
    k_tok, k_w = jax.random.split(key)
    tokens = jax.random.randint(k_tok, (4, 8192), 0, SEQUENCE_LEN, dtype=jnp.int64 if jax.config.read('jax_enable_x64') else jnp.int32)
    W = jax.random.normal(k_w, (SEQUENCE_LEN, EMBEDDING_DIM), dtype=jnp.float32)
    return {"tokens": tokens, "W": W}

def reference(tokens, W):
    # Faithful translation: output is the positional embedding table,
    # unsqueezed at dim 0 and repeated along the batch dimension.
    b = tokens.shape[0]
    x = jnp.tile(W[None, :, :], (b, 1, 1))
    return x

if __name__ == "__main__":
    import jax
    _d = setup_inputs()
    print(jax.jit(kernel)(*tuple(_d.values())))

</pallas_src>

<mosaic_0001>
#map = affine_map<(d0, d1) -> (0, 0)>
module attributes {stable_mosaic.version = 14 : i64} {
  func.func @_sc_body(%arg0: i32, %arg1: i32, %arg2: memref<8192x256xf32, #tpu.memory_space<hbm>>, %arg3: memref<32768x256xf32, #tpu.memory_space<hbm>>, %arg4: memref<4x64x256xf32, #tpu.memory_space<vmem>>, %arg5: memref<4x!tpu.dma_semaphore, #tpu.memory_space<semaphore_mem>>, %arg6: memref<4x4x!tpu.dma_semaphore, #tpu.memory_space<semaphore_mem>>) attributes {dimension_semantics = [#tpu.dimension_semantics<core_parallel>, #tpu.dimension_semantics<subcore_parallel>], iteration_bounds = array<i64: 2, 16>, scalar_prefetch = 0 : i64, scratch_operands = 3 : i64, tpu.core_type = #tpu.core_type<sc_vector_subcore>, window_params = [{transform_indices = #map}, {transform_indices = #map}]} {
    %mul3A = arith.constant 2 : i32
    %mul3A_0 = arith.muli %arg1, %mul3A : i32
    %add3A = arith.addi %mul3A_0, %arg0 : i32
    %mul3A_1 = arith.constant 256 : i32
    %mul3A_2 = arith.muli %add3A, %mul3A_1 : i32
    %add3A_3 = arith.constant 0 : i32
    %add3A_4 = arith.addi %mul3A_2, %add3A_3 : i32
    %add3A_5 = arith.constant 64 : i32
    %add3A_6 = arith.addi %mul3A_2, %add3A_5 : i32
    %add3A_7 = arith.constant 128 : i32
    %add3A_8 = arith.addi %mul3A_2, %add3A_7 : i32
    %add3A_9 = arith.constant 192 : i32
    %add3A_10 = arith.addi %mul3A_2, %add3A_9 : i32
    %dma_start3A = arith.constant 0 : i32
    %dma_start3A_11 = arith.constant 0 : i32
    %dma_start3A_12 = arith.constant 0 : i32
    %dma_start3A_13 = arith.constant 0 : i32
    %dma_start3A_14 = tpu.memref_slice %arg4[%dma_start3A, %dma_start3A_12, %dma_start3A_13] : memref<4x64x256xf32, #tpu.memory_space<vmem>> -> memref<1x64x256xf32, #tpu.memory_space<vmem>>
    %dma_start3A_15 = tpu.memref_squeeze %dma_start3A_14 : memref<1x64x256xf32, #tpu.memory_space<vmem>> -> memref<64x256xf32, #tpu.memory_space<vmem>>
    %dma_start3A_16 = arith.constant 0 : i32
    %dma_start3A_17 = tpu.memref_slice %arg2[%add3A_4, %dma_start3A_16] : memref<8192x256xf32, #tpu.memory_space<hbm>> -> memref<64x256xf32, #tpu.memory_space<hbm>>
    %dma_start3A_18 = tpu.memref_slice %arg5[%dma_start3A_11] : memref<4x!tpu.dma_semaphore, #tpu.memory_space<semaphore_mem>> -> memref<1x!tpu.dma_semaphore, #tpu.memory_space<semaphore_mem>>
    %dma_start3A_19 = tpu.memref_squeeze %dma_start3A_18 : memref<1x!tpu.dma_semaphore, #tpu.memory_space<semaphore_mem>> -> memref<!tpu.dma_semaphore, #tpu.memory_space<semaphore_mem>>
    %dma_start3A_20 = arith.constant 0 : i32
    %dma_start3A_21 = arith.constant 0 : i32
    %dma_start3A_22 = tpu.memref_slice %arg4[%dma_start3A, %dma_start3A_20, %dma_start3A_21] : memref<4x64x256xf32, #tpu.memory_space<vmem>> -> memref<1x64x256xf32, #tpu.memory_space<vmem>>
    %dma_start3A_23 = tpu.memref_squeeze %dma_start3A_22 : memref<1x64x256xf32, #tpu.memory_space<vmem>> -> memref<64x256xf32, #tpu.memory_space<vmem>>
    %dma_start3A_24 = arith.constant 0 : i32
    %dma_start3A_25 = tpu.memref_slice %arg2[%add3A_4, %dma_start3A_24] : memref<8192x256xf32, #tpu.memory_space<hbm>> -> memref<64x256xf32, #tpu.memory_space<hbm>>
    tpu.enqueue_dma source(%dma_start3A_25 : memref<64x256xf32, #tpu.memory_space<hbm>>) target(%dma_start3A_23 : memref<64x256xf32, #tpu.memory_space<vmem>>) target_semaphore(%dma_start3A_19 : memref<!tpu.dma_semaphore, #tpu.memory_space<semaphore_mem>>)
    %dma_start3A_26 = arith.constant 1 : i32
    %dma_start3A_27 = arith.constant 1 : i32
    %dma_start3A_28 = arith.constant 0 : i32
    %dma_start3A_29 = arith.constant 0 : i32
    %dma_start3A_30 = tpu.memref_slice %arg4[%dma_start3A_26, %dma_start3A_28, %dma_start3A_29] : memref<4x64x256xf32, #tpu.memory_space<vmem>> -> memref<1x64x256xf32, #tpu.memory_space<vmem>>
    %dma_start3A_31 = tpu.memref_squeeze %dma_start3A_30 : memref<1x64x256xf32, #tpu.memory_space<vmem>> -> memref<64x256xf32, #tpu.memory_space<vmem>>
    %dma_start3A_32 = arith.constant 0 : i32
    %dma_start3A_33 = tpu.memref_slice %arg2[%add3A_6, %dma_start3A_32] : memref<8192x256xf32, #tpu.memory_space<hbm>> -> memref<64x256xf32, #tpu.memory_space<hbm>>
    %dma_start3A_34 = tpu.memref_slice %arg5[%dma_start3A_27] : memref<4x!tpu.dma_semaphore, #tpu.memory_space<semaphore_mem>> -> memref<1x!tpu.dma_semaphore, #tpu.memory_space<semaphore_mem>>
    %dma_start3A_35 = tpu.memref_squeeze %dma_start3A_34 : memref<1x!tpu.dma_semaphore, #tpu.memory_space<semaphore_mem>> -> memref<!tpu.dma_semaphore, #tpu.memory_space<semaphore_mem>>
    %dma_start3A_36 = arith.constant 0 : i32
    %dma_start3A_37 = arith.constant 0 : i32
    %dma_start3A_38 = tpu.memref_slice %arg4[%dma_start3A_26, %dma_start3A_36, %dma_start3A_37] : memref<4x64x256xf32, #tpu.memory_space<vmem>> -> memref<1x64x256xf32, #tpu.memory_space<vmem>>
    %dma_start3A_39 = tpu.memref_squeeze %dma_start3A_38 : memref<1x64x256xf32, #tpu.memory_space<vmem>> -> memref<64x256xf32, #tpu.memory_space<vmem>>
    %dma_start3A_40 = arith.constant 0 : i32
    %dma_start3A_41 = tpu.memref_slice %arg2[%add3A_6, %dma_start3A_40] : memref<8192x256xf32, #tpu.memory_space<hbm>> -> memref<64x256xf32, #tpu.memory_space<hbm>>
    tpu.enqueue_dma source(%dma_start3A_41 : memref<64x256xf32, #tpu.memory_space<hbm>>) target(%dma_start3A_39 : memref<64x256xf32, #tpu.memory_space<vmem>>) target_semaphore(%dma_start3A_35 : memref<!tpu.dma_semaphore, #tpu.memory_space<semaphore_mem>>)
    %dma_start3A_42 = arith.constant 2 : i32
    %dma_start3A_43 = arith.constant 2 : i32
    %dma_start3A_44 = arith.constant 0 : i32
    %dma_start3A_45 = arith.constant 0 : i32
    %dma_start3A_46 = tpu.memref_slice %arg4[%dma_start3A_42, %dma_start3A_44, %dma_start3A_45] : memref<4x64x256xf32, #tpu.memory_space<vmem>> -> memref<1x64x256xf32, #tpu.memory_space<vmem>>
    %dma_start3A_47 = tpu.memref_squeeze %dma_start3A_46 : memref<1x64x256xf32, #tpu.memory_space<vmem>> -> memref<64x256xf32, #tpu.memory_space<vmem>>
    %dma_start3A_48 = arith.constant 0 : i32
    %dma_start3A_49 = tpu.memref_slice %arg2[%add3A_8, %dma_start3A_48] : memref<8192x256xf32, #tpu.memory_space<hbm>> -> memref<64x256xf32, #tpu.memory_space<hbm>>
    %dma_start3A_50 = tpu.memref_slice %arg5[%dma_start3A_43] : memref<4x!tpu.dma_semaphore, #tpu.memory_space<semaphore_mem>> -> memref<1x!tpu.dma_semaphore, #tpu.memory_space<semaphore_mem>>
    %dma_start3A_51 = tpu.memref_squeeze %dma_start3A_50 : memref<1x!tpu.dma_semaphore, #tpu.memory_space<semaphore_mem>> -> memref<!tpu.dma_semaphore, #tpu.memory_space<semaphore_mem>>
    %dma_start3A_52 = arith.constant 0 : i32
    %dma_start3A_53 = arith.constant 0 : i32
    %dma_start3A_54 = tpu.memref_slice %arg4[%dma_start3A_42, %dma_start3A_52, %dma_start3A_53] : memref<4x64x256xf32, #tpu.memory_space<vmem>> -> memref<1x64x256xf32, #tpu.memory_space<vmem>>
    %dma_start3A_55 = tpu.memref_squeeze %dma_start3A_54 : memref<1x64x256xf32, #tpu.memory_space<vmem>> -> memref<64x256xf32, #tpu.memory_space<vmem>>
    %dma_start3A_56 = arith.constant 0 : i32
    %dma_start3A_57 = tpu.memref_slice %arg2[%add3A_8, %dma_start3A_56] : memref<8192x256xf32, #tpu.memory_space<hbm>> -> memref<64x256xf32, #tpu.memory_space<hbm>>
    tpu.enqueue_dma source(%dma_start3A_57 : memref<64x256xf32, #tpu.memory_space<hbm>>) target(%dma_start3A_55 : memref<64x256xf32, #tpu.memory_space<vmem>>) target_semaphore(%dma_start3A_51 : memref<!tpu.dma_semaphore, #tpu.memory_space<semaphore_mem>>)
    %dma_start3A_58 = arith.constant 3 : i32
    %dma_start3A_59 = arith.constant 3 : i32
    %dma_start3A_60 = arith.constant 0 : i32
    %dma_start3A_61 = arith.constant 0 : i32
    %dma_start3A_62 = tpu.memref_slice %arg4[%dma_start3A_58, %dma_start3A_60, %dma_start3A_61] : memref<4x64x256xf32, #tpu.memory_space<vmem>> -> memref<1x64x256xf32, #tpu.memory_space<vmem>>
    %dma_start3A_63 = tpu.memref_squeeze %dma_start3A_62 : memref<1x64x256xf32, #tpu.memory_space<vmem>> -> memref<64x256xf32, #tpu.memory_space<vmem>>
    %dma_start3A_64 = arith.constant 0 : i32
    %dma_start3A_65 = tpu.memref_slice %arg2[%add3A_10, %dma_start3A_64] : memref<8192x256xf32, #tpu.memory_space<hbm>> -> memref<64x256xf32, #tpu.memory_space<hbm>>
    %dma_start3A_66 = tpu.memref_slice %arg5[%dma_start3A_59] : memref<4x!tpu.dma_semaphore, #tpu.memory_space<semaphore_mem>> -> memref<1x!tpu.dma_semaphore, #tpu.memory_space<semaphore_mem>>
    %dma_start3A_67 = tpu.memref_squeeze %dma_start3A_66 : memref<1x!tpu.dma_semaphore, #tpu.memory_space<semaphore_mem>> -> memref<!tpu.dma_semaphore, #tpu.memory_space<semaphore_mem>>
    %dma_start3A_68 = arith.constant 0 : i32
    %dma_start3A_69 = arith.constant 0 : i32
    %dma_start3A_70 = tpu.memref_slice %arg4[%dma_start3A_58, %dma_start3A_68, %dma_start3A_69] : memref<4x64x256xf32, #tpu.memory_space<vmem>> -> memref<1x64x256xf32, #tpu.memory_space<vmem>>
    %dma_start3A_71 = tpu.memref_squeeze %dma_start3A_70 : memref<1x64x256xf32, #tpu.memory_space<vmem>> -> memref<64x256xf32, #tpu.memory_space<vmem>>
    %dma_start3A_72 = arith.constant 0 : i32
    %dma_start3A_73 = tpu.memref_slice %arg2[%add3A_10, %dma_start3A_72] : memref<8192x256xf32, #tpu.memory_space<hbm>> -> memref<64x256xf32, #tpu.memory_space<hbm>>
    tpu.enqueue_dma source(%dma_start3A_73 : memref<64x256xf32, #tpu.memory_space<hbm>>) target(%dma_start3A_71 : memref<64x256xf32, #tpu.memory_space<vmem>>) target_semaphore(%dma_start3A_67 : memref<!tpu.dma_semaphore, #tpu.memory_space<semaphore_mem>>)
    %dma_wait3A = arith.constant 0 : i32
    %dma_wait3A_74 = arith.constant 0 : i32
    %dma_wait3A_75 = arith.constant 0 : i32
    %dma_wait3A_76 = arith.constant 0 : i32
    %dma_wait3A_77 = tpu.memref_slice %arg4[%dma_wait3A, %dma_wait3A_75, %dma_wait3A_76] : memref<4x64x256xf32, #tpu.memory_space<vmem>> -> memref<1x64x256xf32, #tpu.memory_space<vmem>>
    %dma_wait3A_78 = tpu.memref_squeeze %dma_wait3A_77 : memref<1x64x256xf32, #tpu.memory_space<vmem>> -> memref<64x256xf32, #tpu.memory_space<vmem>>
    %dma_wait3A_79 = arith.constant 0 : i32
    %dma_wait3A_80 = tpu.memref_slice %arg2[%add3A_4, %dma_wait3A_79] : memref<8192x256xf32, #tpu.memory_space<hbm>> -> memref<64x256xf32, #tpu.memory_space<hbm>>
    %dma_wait3A_81 = tpu.memref_slice %arg5[%dma_wait3A_74] : memref<4x!tpu.dma_semaphore, #tpu.memory_space<semaphore_mem>> -> memref<1x!tpu.dma_semaphore, #tpu.memory_space<semaphore_mem>>
    %dma_wait3A_82 = tpu.memref_squeeze %dma_wait3A_81 : memref<1x!tpu.dma_semaphore, #tpu.memory_space<semaphore_mem>> -> memref<!tpu.dma_semaphore, #tpu.memory_space<semaphore_mem>>
    %dma_wait3A_83 = arith.constant 0 : i32
    %dma_wait3A_84 = arith.constant 0 : i32
    %dma_wait3A_85 = tpu.memref_slice %arg4[%dma_wait3A, %dma_wait3A_83, %dma_wait3A_84] : memref<4x64x256xf32, #tpu.memory_space<vmem>> -> memref<1x64x256xf32, #tpu.memory_space<vmem>>
    %dma_wait3A_86 = tpu.memref_squeeze %dma_wait3A_85 : memref<1x64x256xf32, #tpu.memory_space<vmem>> -> memref<64x256xf32, #tpu.memory_space<vmem>>
    %dma_wait3A_87 = arith.constant 0 : i32
    %dma_wait3A_88 = tpu.memref_slice %arg2[%add3A_4, %dma_wait3A_87] : memref<8192x256xf32, #tpu.memory_space<hbm>> -> memref<64x256xf32, #tpu.memory_space<hbm>>
    tpu.wait_dma2 semaphore(%dma_wait3A_82 : memref<!tpu.dma_semaphore, #tpu.memory_space<semaphore_mem>>) src(%dma_wait3A_88 : memref<64x256xf32, #tpu.memory_space<hbm>>) dst(%dma_wait3A_86 : memref<64x256xf32, #tpu.memory_space<vmem>>)
    %add3A_89 = arith.constant 0 : i32
    %add3A_90 = arith.addi %add3A_89, %mul3A_2 : i32
    %add3A_91 = arith.constant 0 : i32
    %add3A_92 = arith.addi %add3A_90, %add3A_91 : i32
    %dma_start3A_93 = arith.constant 0 : i32
    %dma_start3A_94 = arith.constant 0 : i32
    %dma_start3A_95 = arith.constant 0 : i32
    %dma_start3A_96 = arith.constant 0 : i32
    %dma_start3A_97 = arith.constant 0 : i32
    %dma_start3A_98 = tpu.memref_slice %arg4[%dma_start3A_93, %dma_start3A_96, %dma_start3A_97] : memref<4x64x256xf32, #tpu.memory_space<vmem>> -> memref<1x64x256xf32, #tpu.memory_space<vmem>>
    %dma_start3A_99 = tpu.memref_squeeze %dma_start3A_98 : memref<1x64x256xf32, #tpu.memory_space<vmem>> -> memref<64x256xf32, #tpu.memory_space<vmem>>
    %dma_start3A_100 = arith.constant 0 : i32
    %dma_start3A_101 = tpu.memref_slice %arg3[%add3A_92, %dma_start3A_100] : memref<32768x256xf32, #tpu.memory_space<hbm>> -> memref<64x256xf32, #tpu.memory_space<hbm>>
    %dma_start3A_102 = tpu.memref_slice %arg6[%dma_start3A_94, %dma_start3A_95] : memref<4x4x!tpu.dma_semaphore, #tpu.memory_space<semaphore_mem>> -> memref<1x1x!tpu.dma_semaphore, #tpu.memory_space<semaphore_mem>>
    %dma_start3A_103 = tpu.memref_squeeze %dma_start3A_102 : memref<1x1x!tpu.dma_semaphore, #tpu.memory_space<semaphore_mem>> -> memref<!tpu.dma_semaphore, #tpu.memory_space<semaphore_mem>>
    %dma_start3A_104 = arith.constant 0 : i32
    %dma_start3A_105 = tpu.memref_slice %arg3[%add3A_92, %dma_start3A_104] : memref<32768x256xf32, #tpu.memory_space<hbm>> -> memref<64x256xf32, #tpu.memory_space<hbm>>
    %dma_start3A_106 = arith.constant 0 : i32
    %dma_start3A_107 = arith.constant 0 : i32
    %dma_start3A_108 = tpu.memref_slice %arg4[%dma_start3A_93, %dma_start3A_106, %dma_start3A_107] : memref<4x64x256xf32, #tpu.memory_space<vmem>> -> memref<1x64x256xf32, #tpu.memory_space<vmem>>
    %dma_start3A_109 = tpu.memref_squeeze %dma_start3A_108 : memref<1x64x256xf32, #tpu.memory_space<vmem>> -> memref<64x256xf32, #tpu.memory_space<vmem>>
    tpu.enqueue_dma source(%dma_start3A_109 : memref<64x256xf32, #tpu.memory_space<vmem>>) target(%dma_start3A_105 : memref<64x256xf32, #tpu.memory_space<hbm>>) target_semaphore(%dma_start3A_103 : memref<!tpu.dma_semaphore, #tpu.memory_space<semaphore_mem>>)
    %add3A_110 = arith.constant 8192 : i32
    %add3A_111 = arith.addi %add3A_110, %mul3A_2 : i32
    %add3A_112 = arith.constant 0 : i32
    %add3A_113 = arith.addi %add3A_111, %add3A_112 : i32
    %dma_start3A_114 = arith.constant 0 : i32
    %dma_start3A_115 = arith.constant 0 : i32
    %dma_start3A_116 = arith.constant 1 : i32
    %dma_start3A_117 = arith.constant 0 : i32
    %dma_start3A_118 = arith.constant 0 : i32
    %dma_start3A_119 = tpu.memref_slice %arg4[%dma_start3A_114, %dma_start3A_117, %dma_start3A_118] : memref<4x64x256xf32, #tpu.memory_space<vmem>> -> memref<1x64x256xf32, #tpu.memory_space<vmem>>
    %dma_start3A_120 = tpu.memref_squeeze %dma_start3A_119 : memref<1x64x256xf32, #tpu.memory_space<vmem>> -> memref<64x256xf32, #tpu.memory_space<vmem>>
    %dma_start3A_121 = arith.constant 0 : i32
    %dma_start3A_122 = tpu.memref_slice %arg3[%add3A_113, %dma_start3A_121] : memref<32768x256xf32, #tpu.memory_space<hbm>> -> memref<64x256xf32, #tpu.memory_space<hbm>>
    %dma_start3A_123 = tpu.memref_slice %arg6[%dma_start3A_115, %dma_start3A_116] : memref<4x4x!tpu.dma_semaphore, #tpu.memory_space<semaphore_mem>> -> memref<1x1x!tpu.dma_semaphore, #tpu.memory_space<semaphore_mem>>
    %dma_start3A_124 = tpu.memref_squeeze %dma_start3A_123 : memref<1x1x!tpu.dma_semaphore, #tpu.memory_space<semaphore_mem>> -> memref<!tpu.dma_semaphore, #tpu.memory_space<semaphore_mem>>
    %dma_start3A_125 = arith.constant 0 : i32
    %dma_start3A_126 = tpu.memref_slice %arg3[%add3A_113, %dma_start3A_125] : memref<32768x256xf32, #tpu.memory_space<hbm>> -> memref<64x256xf32, #tpu.memory_space<hbm>>
    %dma_start3A_127 = arith.constant 0 : i32
    %dma_start3A_128 = arith.constant 0 : i32
    %dma_start3A_129 = tpu.memref_slice %arg4[%dma_start3A_114, %dma_start3A_127, %dma_start3A_128] : memref<4x64x256xf32, #tpu.memory_space<vmem>> -> memref<1x64x256xf32, #tpu.memory_space<vmem>>
    %dma_start3A_130 = tpu.memref_squeeze %dma_start3A_129 : memref<1x64x256xf32, #tpu.memory_space<vmem>> -> memref<64x256xf32, #tpu.memory_space<vmem>>
    tpu.enqueue_dma source(%dma_start3A_130 : memref<64x256xf32, #tpu.memory_space<vmem>>) target(%dma_start3A_126 : memref<64x256xf32, #tpu.memory_space<hbm>>) target_semaphore(%dma_start3A_124 : memref<!tpu.dma_semaphore, #tpu.memory_space<semaphore_mem>>)
    %add3A_131 = arith.constant 16384 : i32
    %add3A_132 = arith.addi %add3A_131, %mul3A_2 : i32
    %add3A_133 = arith.constant 0 : i32
    %add3A_134 = arith.addi %add3A_132, %add3A_133 : i32
    %dma_start3A_135 = arith.constant 0 : i32
    %dma_start3A_136 = arith.constant 0 : i32
    %dma_start3A_137 = arith.constant 2 : i32
    %dma_start3A_138 = arith.constant 0 : i32
    %dma_start3A_139 = arith.constant 0 : i32
    %dma_start3A_140 = tpu.memref_slice %arg4[%dma_start3A_135, %dma_start3A_138, %dma_start3A_139] : memref<4x64x256xf32, #tpu.memory_space<vmem>> -> memref<1x64x256xf32, #tpu.memory_space<vmem>>
    %dma_start3A_141 = tpu.memref_squeeze %dma_start3A_140 : memref<1x64x256xf32, #tpu.memory_space<vmem>> -> memref<64x256xf32, #tpu.memory_space<vmem>>
    %dma_start3A_142 = arith.constant 0 : i32
    %dma_start3A_143 = tpu.memref_slice %arg3[%add3A_134, %dma_start3A_142] : memref<32768x256xf32, #tpu.memory_space<hbm>> -> memref<64x256xf32, #tpu.memory_space<hbm>>
    %dma_start3A_144 = tpu.memref_slice %arg6[%dma_start3A_136, %dma_start3A_137] : memref<4x4x!tpu.dma_semaphore, #tpu.memory_space<semaphore_mem>> -> memref<1x1x!tpu.dma_semaphore, #tpu.memory_space<semaphore_mem>>
    %dma_start3A_145 = tpu.memref_squeeze %dma_start3A_144 : memref<1x1x!tpu.dma_semaphore, #tpu.memory_space<semaphore_mem>> -> memref<!tpu.dma_semaphore, #tpu.memory_space<semaphore_mem>>
    %dma_start3A_146 = arith.constant 0 : i32
    %dma_start3A_147 = tpu.memref_slice %arg3[%add3A_134, %dma_start3A_146] : memref<32768x256xf32, #tpu.memory_space<hbm>> -> memref<64x256xf32, #tpu.memory_space<hbm>>
    %dma_start3A_148 = arith.constant 0 : i32
    %dma_start3A_149 = arith.constant 0 : i32
    %dma_start3A_150 = tpu.memref_slice %arg4[%dma_start3A_135, %dma_start3A_148, %dma_start3A_149] : memref<4x64x256xf32, #tpu.memory_space<vmem>> -> memref<1x64x256xf32, #tpu.memory_space<vmem>>
    %dma_start3A_151 = tpu.memref_squeeze %dma_start3A_150 : memref<1x64x256xf32, #tpu.memory_space<vmem>> -> memref<64x256xf32, #tpu.memory_space<vmem>>
    tpu.enqueue_dma source(%dma_start3A_151 : memref<64x256xf32, #tpu.memory_space<vmem>>) target(%dma_start3A_147 : memref<64x256xf32, #tpu.memory_space<hbm>>) target_semaphore(%dma_start3A_145 : memref<!tpu.dma_semaphore, #tpu.memory_space<semaphore_mem>>)
    %add3A_152 = arith.constant 24576 : i32
    %add3A_153 = arith.addi %add3A_152, %mul3A_2 : i32
    %add3A_154 = arith.constant 0 : i32
    %add3A_155 = arith.addi %add3A_153, %add3A_154 : i32
    %dma_start3A_156 = arith.constant 0 : i32
    %dma_start3A_157 = arith.constant 0 : i32
    %dma_start3A_158 = arith.constant 3 : i32
    %dma_start3A_159 = arith.constant 0 : i32
    %dma_start3A_160 = arith.constant 0 : i32
    %dma_start3A_161 = tpu.memref_slice %arg4[%dma_start3A_156, %dma_start3A_159, %dma_start3A_160] : memref<4x64x256xf32, #tpu.memory_space<vmem>> -> memref<1x64x256xf32, #tpu.memory_space<vmem>>
    %dma_start3A_162 = tpu.memref_squeeze %dma_start3A_161 : memref<1x64x256xf32, #tpu.memory_space<vmem>> -> memref<64x256xf32, #tpu.memory_space<vmem>>
    %dma_start3A_163 = arith.constant 0 : i32
    %dma_start3A_164 = tpu.memref_slice %arg3[%add3A_155, %dma_start3A_163] : memref<32768x256xf32, #tpu.memory_space<hbm>> -> memref<64x256xf32, #tpu.memory_space<hbm>>
    %dma_start3A_165 = tpu.memref_slice %arg6[%dma_start3A_157, %dma_start3A_158] : memref<4x4x!tpu.dma_semaphore, #tpu.memory_space<semaphore_mem>> -> memref<1x1x!tpu.dma_semaphore, #tpu.memory_space<semaphore_mem>>
    %dma_start3A_166 = tpu.memref_squeeze %dma_start3A_165 : memref<1x1x!tpu.dma_semaphore, #tpu.memory_space<semaphore_mem>> -> memref<!tpu.dma_semaphore, #tpu.memory_space<semaphore_mem>>
    %dma_start3A_167 = arith.constant 0 : i32
    %dma_start3A_168 = tpu.memref_slice %arg3[%add3A_155, %dma_start3A_167] : memref<32768x256xf32, #tpu.memory_space<hbm>> -> memref<64x256xf32, #tpu.memory_space<hbm>>
    %dma_start3A_169 = arith.constant 0 : i32
    %dma_start3A_170 = arith.constant 0 : i32
    %dma_start3A_171 = tpu.memref_slice %arg4[%dma_start3A_156, %dma_start3A_169, %dma_start3A_170] : memref<4x64x256xf32, #tpu.memory_space<vmem>> -> memref<1x64x256xf32, #tpu.memory_space<vmem>>
    %dma_start3A_172 = tpu.memref_squeeze %dma_start3A_171 : memref<1x64x256xf32, #tpu.memory_space<vmem>> -> memref<64x256xf32, #tpu.memory_space<vmem>>
    tpu.enqueue_dma source(%dma_start3A_172 : memref<64x256xf32, #tpu.memory_space<vmem>>) target(%dma_start3A_168 : memref<64x256xf32, #tpu.memory_space<hbm>>) target_semaphore(%dma_start3A_166 : memref<!tpu.dma_semaphore, #tpu.memory_space<semaphore_mem>>)
    %dma_wait3A_173 = arith.constant 1 : i32
    %dma_wait3A_174 = arith.constant 1 : i32
    %dma_wait3A_175 = arith.constant 0 : i32
    %dma_wait3A_176 = arith.constant 0 : i32
    %dma_wait3A_177 = tpu.memref_slice %arg4[%dma_wait3A_173, %dma_wait3A_175, %dma_wait3A_176] : memref<4x64x256xf32, #tpu.memory_space<vmem>> -> memref<1x64x256xf32, #tpu.memory_space<vmem>>
    %dma_wait3A_178 = tpu.memref_squeeze %dma_wait3A_177 : memref<1x64x256xf32, #tpu.memory_space<vmem>> -> memref<64x256xf32, #tpu.memory_space<vmem>>
    %dma_wait3A_179 = arith.constant 0 : i32
    %dma_wait3A_180 = tpu.memref_slice %arg2[%add3A_6, %dma_wait3A_179] : memref<8192x256xf32, #tpu.memory_space<hbm>> -> memref<64x256xf32, #tpu.memory_space<hbm>>
    %dma_wait3A_181 = tpu.memref_slice %arg5[%dma_wait3A_174] : memref<4x!tpu.dma_semaphore, #tpu.memory_space<semaphore_mem>> -> memref<1x!tpu.dma_semaphore, #tpu.memory_space<semaphore_mem>>
    %dma_wait3A_182 = tpu.memref_squeeze %dma_wait3A_181 : memref<1x!tpu.dma_semaphore, #tpu.memory_space<semaphore_mem>> -> memref<!tpu.dma_semaphore, #tpu.memory_space<semaphore_mem>>
    %dma_wait3A_183 = arith.constant 0 : i32
    %dma_wait3A_184 = arith.constant 0 : i32
    %dma_wait3A_185 = tpu.memref_slice %arg4[%dma_wait3A_173, %dma_wait3A_183, %dma_wait3A_184] : memref<4x64x256xf32, #tpu.memory_space<vmem>> -> memref<1x64x256xf32, #tpu.memory_space<vmem>>
    %dma_wait3A_186 = tpu.memref_squeeze %dma_wait3A_185 : memref<1x64x256xf32, #tpu.memory_space<vmem>> -> memref<64x256xf32, #tpu.memory_space<vmem>>
    %dma_wait3A_187 = arith.constant 0 : i32
    %dma_wait3A_188 = tpu.memref_slice %arg2[%add3A_6, %dma_wait3A_187] : memref<8192x256xf32, #tpu.memory_space<hbm>> -> memref<64x256xf32, #tpu.memory_space<hbm>>
    tpu.wait_dma2 semaphore(%dma_wait3A_182 : memref<!tpu.dma_semaphore, #tpu.memory_space<semaphore_mem>>) src(%dma_wait3A_188 : memref<64x256xf32, #tpu.memory_space<hbm>>) dst(%dma_wait3A_186 : memref<64x256xf32, #tpu.memory_space<vmem>>)
    %add3A_189 = arith.constant 0 : i32
    %add3A_190 = arith.addi %add3A_189, %mul3A_2 : i32
    %add3A_191 = arith.constant 64 : i32
    %add3A_192 = arith.addi %add3A_190, %add3A_191 : i32
    %dma_start3A_193 = arith.constant 1 : i32
    %dma_start3A_194 = arith.constant 1 : i32
    %dma_start3A_195 = arith.constant 0 : i32
    %dma_start3A_196 = arith.constant 0 : i32
    %dma_start3A_197 = arith.constant 0 : i32
    %dma_start3A_198 = tpu.memref_slice %arg4[%dma_start3A_193, %dma_start3A_196, %dma_start3A_197] : memref<4x64x256xf32, #tpu.memory_space<vmem>> -> memref<1x64x256xf32, #tpu.memory_space<vmem>>
    %dma_start3A_199 = tpu.memref_squeeze %dma_start3A_198 : memref<1x64x256xf32, #tpu.memory_space<vmem>> -> memref<64x256xf32, #tpu.memory_space<vmem>>
    %dma_start3A_200 = arith.constant 0 : i32
    %dma_start3A_201 = tpu.memref_slice %arg3[%add3A_192, %dma_start3A_200] : memref<32768x256xf32, #tpu.memory_space<hbm>> -> memref<64x256xf32, #tpu.memory_space<hbm>>
    %dma_start3A_202 = tpu.memref_slice %arg6[%dma_start3A_194, %dma_start3A_195] : memref<4x4x!tpu.dma_semaphore, #tpu.memory_space<semaphore_mem>> -> memref<1x1x!tpu.dma_semaphore, #tpu.memory_space<semaphore_mem>>
    %dma_start3A_203 = tpu.memref_squeeze %dma_start3A_202 : memref<1x1x!tpu.dma_semaphore, #tpu.memory_space<semaphore_mem>> -> memref<!tpu.dma_semaphore, #tpu.memory_space<semaphore_mem>>
    %dma_start3A_204 = arith.constant 0 : i32
    %dma_start3A_205 = tpu.memref_slice %arg3[%add3A_192, %dma_start3A_204] : memref<32768x256xf32, #tpu.memory_space<hbm>> -> memref<64x256xf32, #tpu.memory_space<hbm>>
    %dma_start3A_206 = arith.constant 0 : i32
    %dma_start3A_207 = arith.constant 0 : i32
    %dma_start3A_208 = tpu.memref_slice %arg4[%dma_start3A_193, %dma_start3A_206, %dma_start3A_207] : memref<4x64x256xf32, #tpu.memory_space<vmem>> -> memref<1x64x256xf32, #tpu.memory_space<vmem>>
    %dma_start3A_209 = tpu.memref_squeeze %dma_start3A_208 : memref<1x64x256xf32, #tpu.memory_space<vmem>> -> memref<64x256xf32, #tpu.memory_space<vmem>>
    tpu.enqueue_dma source(%dma_start3A_209 : memref<64x256xf32, #tpu.memory_space<vmem>>) target(%dma_start3A_205 : memref<64x256xf32, #tpu.memory_space<hbm>>) target_semaphore(%dma_start3A_203 : memref<!tpu.dma_semaphore, #tpu.memory_space<semaphore_mem>>)
    %add3A_210 = arith.constant 8192 : i32
    %add3A_211 = arith.addi %add3A_210, %mul3A_2 : i32
    %add3A_212 = arith.constant 64 : i32
    %add3A_213 = arith.addi %add3A_211, %add3A_212 : i32
    %dma_start3A_214 = arith.constant 1 : i32
    %dma_start3A_215 = arith.constant 1 : i32
    %dma_start3A_216 = arith.constant 1 : i32
    %dma_start3A_217 = arith.constant 0 : i32
    %dma_start3A_218 = arith.constant 0 : i32
    %dma_start3A_219 = tpu.memref_slice %arg4[%dma_start3A_214, %dma_start3A_217, %dma_start3A_218] : memref<4x64x256xf32, #tpu.memory_space<vmem>> -> memref<1x64x256xf32, #tpu.memory_space<vmem>>
    %dma_start3A_220 = tpu.memref_squeeze %dma_start3A_219 : memref<1x64x256xf32, #tpu.memory_space<vmem>> -> memref<64x256xf32, #tpu.memory_space<vmem>>
    %dma_start3A_221 = arith.constant 0 : i32
    %dma_start3A_222 = tpu.memref_slice %arg3[%add3A_213, %dma_start3A_221] : memref<32768x256xf32, #tpu.memory_space<hbm>> -> memref<64x256xf32, #tpu.memory_space<hbm>>
    %dma_start3A_223 = tpu.memref_slice %arg6[%dma_start3A_215, %dma_start3A_216] : memref<4x4x!tpu.dma_semaphore, #tpu.memory_space<semaphore_mem>> -> memref<1x1x!tpu.dma_semaphore, #tpu.memory_space<semaphore_mem>>
    %dma_start3A_224 = tpu.memref_squeeze %dma_start3A_223 : memref<1x1x!tpu.dma_semaphore, #tpu.memory_space<semaphore_mem>> -> memref<!tpu.dma_semaphore, #tpu.memory_space<semaphore_mem>>
    %dma_start3A_225 = arith.constant 0 : i32
    %dma_start3A_226 = tpu.memref_slice %arg3[%add3A_213, %dma_start3A_225] : memref<32768x256xf32, #tpu.memory_space<hbm>> -> memref<64x256xf32, #tpu.memory_space<hbm>>
    %dma_start3A_227 = arith.constant 0 : i32
    %dma_start3A_228 = arith.constant 0 : i32
    %dma_start3A_229 = tpu.memref_slice %arg4[%dma_start3A_214, %dma_start3A_227, %dma_start3A_228] : memref<4x64x256xf32, #tpu.memory_space<vmem>> -> memref<1x64x256xf32, #tpu.memory_space<vmem>>
    %dma_start3A_230 = tpu.memref_squeeze %dma_start3A_229 : memref<1x64x256xf32, #tpu.memory_space<vmem>> -> memref<64x256xf32, #tpu.memory_space<vmem>>
    tpu.enqueue_dma source(%dma_start3A_230 : memref<64x256xf32, #tpu.memory_space<vmem>>) target(%dma_start3A_226 : memref<64x256xf32, #tpu.memory_space<hbm>>) target_semaphore(%dma_start3A_224 : memref<!tpu.dma_semaphore, #tpu.memory_space<semaphore_mem>>)
    %add3A_231 = arith.constant 16384 : i32
    %add3A_232 = arith.addi %add3A_231, %mul3A_2 : i32
    %add3A_233 = arith.constant 64 : i32
    %add3A_234 = arith.addi %add3A_232, %add3A_233 : i32
    %dma_start3A_235 = arith.constant 1 : i32
    %dma_start3A_236 = arith.constant 1 : i32
    %dma_start3A_237 = arith.constant 2 : i32
    %dma_start3A_238 = arith.constant 0 : i32
    %dma_start3A_239 = arith.constant 0 : i32
    %dma_start3A_240 = tpu.memref_slice %arg4[%dma_start3A_235, %dma_start3A_238, %dma_start3A_239] : memref<4x64x256xf32, #tpu.memory_space<vmem>> -> memref<1x64x256xf32, #tpu.memory_space<vmem>>
    %dma_start3A_241 = tpu.memref_squeeze %dma_start3A_240 : memref<1x64x256xf32, #tpu.memory_space<vmem>> -> memref<64x256xf32, #tpu.memory_space<vmem>>
    %dma_start3A_242 = arith.constant 0 : i32
    %dma_start3A_243 = tpu.memref_slice %arg3[%add3A_234, %dma_start3A_242] : memref<32768x256xf32, #tpu.memory_space<hbm>> -> memref<64x256xf32, #tpu.memory_space<hbm>>
    %dma_start3A_244 = tpu.memref_slice %arg6[%dma_start3A_236, %dma_start3A_237] : memref<4x4x!tpu.dma_semaphore, #tpu.memory_space<semaphore_mem>> -> memref<1x1x!tpu.dma_semaphore, #tpu.memory_space<semaphore_mem>>
    %dma_start3A_245 = tpu.memref_squeeze %dma_start3A_244 : memref<1x1x!tpu.dma_semaphore, #tpu.memory_space<semaphore_mem>> -> memref<!tpu.dma_semaphore, #tpu.memory_space<semaphore_mem>>
    %dma_start3A_246 = arith.constant 0 : i32
    %dma_start3A_247 = tpu.memref_slice %arg3[%add3A_234, %dma_start3A_246] : memref<32768x256xf32, #tpu.memory_space<hbm>> -> memref<64x256xf32, #tpu.memory_space<hbm>>
    %dma_start3A_248 = arith.constant 0 : i32
    %dma_start3A_249 = arith.constant 0 : i32
    %dma_start3A_250 = tpu.memref_slice %arg4[%dma_start3A_235, %dma_start3A_248, %dma_start3A_249] : memref<4x64x256xf32, #tpu.memory_space<vmem>> -> memref<1x64x256xf32, #tpu.memory_space<vmem>>
    %dma_start3A_251 = tpu.memref_squeeze %dma_start3A_250 : memref<1x64x256xf32, #tpu.memory_space<vmem>> -> memref<64x256xf32, #tpu.memory_space<vmem>>
    tpu.enqueue_dma source(%dma_start3A_251 : memref<64x256xf32, #tpu.memory_space<vmem>>) target(%dma_start3A_247 : memref<64x256xf32, #tpu.memory_space<hbm>>) target_semaphore(%dma_start3A_245 : memref<!tpu.dma_semaphore, #tpu.memory_space<semaphore_mem>>)
    %add3A_252 = arith.constant 24576 : i32
    %add3A_253 = arith.addi %add3A_252, %mul3A_2 : i32
    %add3A_254 = arith.constant 64 : i32
    %add3A_255 = arith.addi %add3A_253, %add3A_254 : i32
    %dma_start3A_256 = arith.constant 1 : i32
    %dma_start3A_257 = arith.constant 1 : i32
    %dma_start3A_258 = arith.constant 3 : i32
    %dma_start3A_259 = arith.constant 0 : i32
    %dma_start3A_260 = arith.constant 0 : i32
    %dma_start3A_261 = tpu.memref_slice %arg4[%dma_start3A_256, %dma_start3A_259, %dma_start3A_260] : memref<4x64x256xf32, #tpu.memory_space<vmem>> -> memref<1x64x256xf32, #tpu.memory_space<vmem>>
    %dma_start3A_262 = tpu.memref_squeeze %dma_start3A_261 : memref<1x64x256xf32, #tpu.memory_space<vmem>> -> memref<64x256xf32, #tpu.memory_space<vmem>>
    %dma_start3A_263 = arith.constant 0 : i32
    %dma_start3A_264 = tpu.memref_slice %arg3[%add3A_255, %dma_start3A_263] : memref<32768x256xf32, #tpu.memory_space<hbm>> -> memref<64x256xf32, #tpu.memory_space<hbm>>
    %dma_start3A_265 = tpu.memref_slice %arg6[%dma_start3A_257, %dma_start3A_258] : memref<4x4x!tpu.dma_semaphore, #tpu.memory_space<semaphore_mem>> -> memref<1x1x!tpu.dma_semaphore, #tpu.memory_space<semaphore_mem>>
    %dma_start3A_266 = tpu.memref_squeeze %dma_start3A_265 : memref<1x1x!tpu.dma_semaphore, #tpu.memory_space<semaphore_mem>> -> memref<!tpu.dma_semaphore, #tpu.memory_space<semaphore_mem>>
    %dma_start3A_267 = arith.constant 0 : i32
    %dma_start3A_268 = tpu.memref_slice %arg3[%add3A_255, %dma_start3A_267] : memref<32768x256xf32, #tpu.memory_space<hbm>> -> memref<64x256xf32, #tpu.memory_space<hbm>>
    %dma_start3A_269 = arith.constant 0 : i32
    %dma_start3A_270 = arith.constant 0 : i32
    %dma_start3A_271 = tpu.memref_slice %arg4[%dma_start3A_256, %dma_start3A_269, %dma_start3A_270] : memref<4x64x256xf32, #tpu.memory_space<vmem>> -> memref<1x64x256xf32, #tpu.memory_space<vmem>>
    %dma_start3A_272 = tpu.memref_squeeze %dma_start3A_271 : memref<1x64x256xf32, #tpu.memory_space<vmem>> -> memref<64x256xf32, #tpu.memory_space<vmem>>
    tpu.enqueue_dma source(%dma_start3A_272 : memref<64x256xf32, #tpu.memory_space<vmem>>) target(%dma_start3A_268 : memref<64x256xf32, #tpu.memory_space<hbm>>) target_semaphore(%dma_start3A_266 : memref<!tpu.dma_semaphore, #tpu.memory_space<semaphore_mem>>)
    %dma_wait3A_273 = arith.constant 2 : i32
    %dma_wait3A_274 = arith.constant 2 : i32
    %dma_wait3A_275 = arith.constant 0 : i32
    %dma_wait3A_276 = arith.constant 0 : i32
    %dma_wait3A_277 = tpu.memref_slice %arg4[%dma_wait3A_273, %dma_wait3A_275, %dma_wait3A_276] : memref<4x64x256xf32, #tpu.memory_space<vmem>> -> memref<1x64x256xf32, #tpu.memory_space<vmem>>
    %dma_wait3A_278 = tpu.memref_squeeze %dma_wait3A_277 : memref<1x64x256xf32, #tpu.memory_space<vmem>> -> memref<64x256xf32, #tpu.memory_space<vmem>>
    %dma_wait3A_279 = arith.constant 0 : i32
    %dma_wait3A_280 = tpu.memref_slice %arg2[%add3A_8, %dma_wait3A_279] : memref<8192x256xf32, #tpu.memory_space<hbm>> -> memref<64x256xf32, #tpu.memory_space<hbm>>
    %dma_wait3A_281 = tpu.memref_slice %arg5[%dma_wait3A_274] : memref<4x!tpu.dma_semaphore, #tpu.memory_space<semaphore_mem>> -> memref<1x!tpu.dma_semaphore, #tpu.memory_space<semaphore_mem>>
    %dma_wait3A_282 = tpu.memref_squeeze %dma_wait3A_281 : memref<1x!tpu.dma_semaphore, #tpu.memory_space<semaphore_mem>> -> memref<!tpu.dma_semaphore, #tpu.memory_space<semaphore_mem>>
    %dma_wait3A_283 = arith.constant 0 : i32
    %dma_wait3A_284 = arith.constant 0 : i32
    %dma_wait3A_285 = tpu.memref_slice %arg4[%dma_wait3A_273, %dma_wait3A_283, %dma_wait3A_284] : memref<4x64x256xf32, #tpu.memory_space<vmem>> -> memref<1x64x256xf32, #tpu.memory_space<vmem>>
    %dma_wait3A_286 = tpu.memref_squeeze %dma_wait3A_285 : memref<1x64x256xf32, #tpu.memory_space<vmem>> -> memref<64x256xf32, #tpu.memory_space<vmem>>
    %dma_wait3A_287 = arith.constant 0 : i32
    %dma_wait3A_288 = tpu.memref_slice %arg2[%add3A_8, %dma_wait3A_287] : memref<8192x256xf32, #tpu.memory_space<hbm>> -> memref<64x256xf32, #tpu.memory_space<hbm>>
    tpu.wait_dma2 semaphore(%dma_wait3A_282 : memref<!tpu.dma_semaphore, #tpu.memory_space<semaphore_mem>>) src(%dma_wait3A_288 : memref<64x256xf32, #tpu.memory_space<hbm>>) dst(%dma_wait3A_286 : memref<64x256xf32, #tpu.memory_space<vmem>>)
    %add3A_289 = arith.constant 0 : i32
    %add3A_290 = arith.addi %add3A_289, %mul3A_2 : i32
    %add3A_291 = arith.constant 128 : i32
    %add3A_292 = arith.addi %add3A_290, %add3A_291 : i32
    %dma_start3A_293 = arith.constant 2 : i32
    %dma_start3A_294 = arith.constant 2 : i32
    %dma_start3A_295 = arith.constant 0 : i32
    %dma_start3A_296 = arith.constant 0 : i32
    %dma_start3A_297 = arith.constant 0 : i32
    %dma_start3A_298 = tpu.memref_slice %arg4[%dma_start3A_293, %dma_start3A_296, %dma_start3A_297] : memref<4x64x256xf32, #tpu.memory_space<vmem>> -> memref<1x64x256xf32, #tpu.memory_space<vmem>>
    %dma_start3A_299 = tpu.memref_squeeze %dma_start3A_298 : memref<1x64x256xf32, #tpu.memory_space<vmem>> -> memref<64x256xf32, #tpu.memory_space<vmem>>
    %dma_start3A_300 = arith.constant 0 : i32
    %dma_start3A_301 = tpu.memref_slice %arg3[%add3A_292, %dma_start3A_300] : memref<32768x256xf32, #tpu.memory_space<hbm>> -> memref<64x256xf32, #tpu.memory_space<hbm>>
    %dma_start3A_302 = tpu.memref_slice %arg6[%dma_start3A_294, %dma_start3A_295] : memref<4x4x!tpu.dma_semaphore, #tpu.memory_space<semaphore_mem>> -> memref<1x1x!tpu.dma_semaphore, #tpu.memory_space<semaphore_mem>>
    %dma_start3A_303 = tpu.memref_squeeze %dma_start3A_302 : memref<1x1x!tpu.dma_semaphore, #tpu.memory_space<semaphore_mem>> -> memref<!tpu.dma_semaphore, #tpu.memory_space<semaphore_mem>>
    %dma_start3A_304 = arith.constant 0 : i32
    %dma_start3A_305 = tpu.memref_slice %arg3[%add3A_292, %dma_start3A_304] : memref<32768x256xf32, #tpu.memory_space<hbm>> -> memref<64x256xf32, #tpu.memory_space<hbm>>
    %dma_start3A_306 = arith.constant 0 : i32
    %dma_start3A_307 = arith.constant 0 : i32
    %dma_start3A_308 = tpu.memref_slice %arg4[%dma_start3A_293, %dma_start3A_306, %dma_start3A_307] : memref<4x64x256xf32, #tpu.memory_space<vmem>> -> memref<1x64x256xf32, #tpu.memory_space<vmem>>
    %dma_start3A_309 = tpu.memref_squeeze %dma_start3A_308 : memref<1x64x256xf32, #tpu.memory_space<vmem>> -> memref<64x256xf32, #tpu.memory_space<vmem>>
    tpu.enqueue_dma source(%dma_start3A_309 : memref<64x256xf32, #tpu.memory_space<vmem>>) target(%dma_start3A_305 : memref<64x256xf32, #tpu.memory_space<hbm>>) target_semaphore(%dma_start3A_303 : memref<!tpu.dma_semaphore, #tpu.memory_space<semaphore_mem>>)
    %add3A_310 = arith.constant 8192 : i32
    %add3A_311 = arith.addi %add3A_310, %mul3A_2 : i32
    %add3A_312 = arith.constant 128 : i32
    %add3A_313 = arith.addi %add3A_311, %add3A_312 : i32
    %dma_start3A_314 = arith.constant 2 : i32
    %dma_start3A_315 = arith.constant 2 : i32
    %dma_start3A_316 = arith.constant 1 : i32
    %dma_start3A_317 = arith.constant 0 : i32
    %dma_start3A_318 = arith.constant 0 : i32
    %dma_start3A_319 = tpu.memref_slice %arg4[%dma_start3A_314, %dma_start3A_317, %dma_start3A_318] : memref<4x64x256xf32, #tpu.memory_space<vmem>> -> memref<1x64x256xf32, #tpu.memory_space<vmem>>
    %dma_start3A_320 = tpu.memref_squeeze %dma_start3A_319 : memref<1x64x256xf32, #tpu.memory_space<vmem>> -> memref<64x256xf32, #tpu.memory_space<vmem>>
    %dma_start3A_321 = arith.constant 0 : i32
    %dma_start3A_322 = tpu.memref_slice %arg3[%add3A_313, %dma_start3A_321] : memref<32768x256xf32, #tpu.memory_space<hbm>> -> memref<64x256xf32, #tpu.memory_space<hbm>>
    %dma_start3A_323 = tpu.memref_slice %arg6[%dma_start3A_315, %dma_start3A_316] : memref<4x4x!tpu.dma_semaphore, #tpu.memory_space<semaphore_mem>> -> memref<1x1x!tpu.dma_semaphore, #tpu.memory_space<semaphore_mem>>
    %dma_start3A_324 = tpu.memref_squeeze %dma_start3A_323 : memref<1x1x!tpu.dma_semaphore, #tpu.memory_space<semaphore_mem>> -> memref<!tpu.dma_semaphore, #tpu.memory_space<semaphore_mem>>
    %dma_start3A_325 = arith.constant 0 : i32
    %dma_start3A_326 = tpu.memref_slice %arg3[%add3A_313, %dma_start3A_325] : memref<32768x256xf32, #tpu.memory_space<hbm>> -> memref<64x256xf32, #tpu.memory_space<hbm>>
    %dma_start3A_327 = arith.constant 0 : i32
    %dma_start3A_328 = arith.constant 0 : i32
    %dma_start3A_329 = tpu.memref_slice %arg4[%dma_start3A_314, %dma_start3A_327, %dma_start3A_328] : memref<4x64x256xf32, #tpu.memory_space<vmem>> -> memref<1x64x256xf32, #tpu.memory_space<vmem>>
    %dma_start3A_330 = tpu.memref_squeeze %dma_start3A_329 : memref<1x64x256xf32, #tpu.memory_space<vmem>> -> memref<64x256xf32, #tpu.memory_space<vmem>>
    tpu.enqueue_dma source(%dma_start3A_330 : memref<64x256xf32, #tpu.memory_space<vmem>>) target(%dma_start3A_326 : memref<64x256xf32, #tpu.memory_space<hbm>>) target_semaphore(%dma_start3A_324 : memref<!tpu.dma_semaphore, #tpu.memory_space<semaphore_mem>>)
    %add3A_331 = arith.constant 16384 : i32
    %add3A_332 = arith.addi %add3A_331, %mul3A_2 : i32
    %add3A_333 = arith.constant 128 : i32
    %add3A_334 = arith.addi %add3A_332, %add3A_333 : i32
    %dma_start3A_335 = arith.constant 2 : i32
    %dma_start3A_336 = arith.constant 2 : i32
    %dma_start3A_337 = arith.constant 2 : i32
    %dma_start3A_338 = arith.constant 0 : i32
    %dma_start3A_339 = arith.constant 0 : i32
    %dma_start3A_340 = tpu.memref_slice %arg4[%dma_start3A_335, %dma_start3A_338, %dma_start3A_339] : memref<4x64x256xf32, #tpu.memory_space<vmem>> -> memref<1x64x256xf32, #tpu.memory_space<vmem>>
    %dma_start3A_341 = tpu.memref_squeeze %dma_start3A_340 : memref<1x64x256xf32, #tpu.memory_space<vmem>> -> memref<64x256xf32, #tpu.memory_space<vmem>>
    %dma_start3A_342 = arith.constant 0 : i32
    %dma_start3A_343 = tpu.memref_slice %arg3[%add3A_334, %dma_start3A_342] : memref<32768x256xf32, #tpu.memory_space<hbm>> -> memref<64x256xf32, #tpu.memory_space<hbm>>
    %dma_start3A_344 = tpu.memref_slice %arg6[%dma_start3A_336, %dma_start3A_337] : memref<4x4x!tpu.dma_semaphore, #tpu.memory_space<semaphore_mem>> -> memref<1x1x!tpu.dma_semaphore, #tpu.memory_space<semaphore_mem>>
    %dma_start3A_345 = tpu.memref_squeeze %dma_start3A_344 : memref<1x1x!tpu.dma_semaphore, #tpu.memory_space<semaphore_mem>> -> memref<!tpu.dma_semaphore, #tpu.memory_space<semaphore_mem>>
    %dma_start3A_346 = arith.constant 0 : i32
    %dma_start3A_347 = tpu.memref_slice %arg3[%add3A_334, %dma_start3A_346] : memref<32768x256xf32, #tpu.memory_space<hbm>> -> memref<64x256xf32, #tpu.memory_space<hbm>>
    %dma_start3A_348 = arith.constant 0 : i32
    %dma_start3A_349 = arith.constant 0 : i32
    %dma_start3A_350 = tpu.memref_slice %arg4[%dma_start3A_335, %dma_start3A_348, %dma_start3A_349] : memref<4x64x256xf32, #tpu.memory_space<vmem>> -> memref<1x64x256xf32, #tpu.memory_space<vmem>>
    %dma_start3A_351 = tpu.memref_squeeze %dma_start3A_350 : memref<1x64x256xf32, #tpu.memory_space<vmem>> -> memref<64x256xf32, #tpu.memory_space<vmem>>
    tpu.enqueue_dma source(%dma_start3A_351 : memref<64x256xf32, #tpu.memory_space<vmem>>) target(%dma_start3A_347 : memref<64x256xf32, #tpu.memory_space<hbm>>) target_semaphore(%dma_start3A_345 : memref<!tpu.dma_semaphore, #tpu.memory_space<semaphore_mem>>)
    %add3A_352 = arith.constant 24576 : i32
    %add3A_353 = arith.addi %add3A_352, %mul3A_2 : i32
    %add3A_354 = arith.constant 128 : i32
    %add3A_355 = arith.addi %add3A_353, %add3A_354 : i32
    %dma_start3A_356 = arith.constant 2 : i32
    %dma_start3A_357 = arith.constant 2 : i32
    %dma_start3A_358 = arith.constant 3 : i32
    %dma_start3A_359 = arith.constant 0 : i32
    %dma_start3A_360 = arith.constant 0 : i32
    %dma_start3A_361 = tpu.memref_slice %arg4[%dma_start3A_356, %dma_start3A_359, %dma_start3A_360] : memref<4x64x256xf32, #tpu.memory_space<vmem>> -> memref<1x64x256xf32, #tpu.memory_space<vmem>>
    %dma_start3A_362 = tpu.memref_squeeze %dma_start3A_361 : memref<1x64x256xf32, #tpu.memory_space<vmem>> -> memref<64x256xf32, #tpu.memory_space<vmem>>
    %dma_start3A_363 = arith.constant 0 : i32
    %dma_start3A_364 = tpu.memref_slice %arg3[%add3A_355, %dma_start3A_363] : memref<32768x256xf32, #tpu.memory_space<hbm>> -> memref<64x256xf32, #tpu.memory_space<hbm>>
    %dma_start3A_365 = tpu.memref_slice %arg6[%dma_start3A_357, %dma_start3A_358] : memref<4x4x!tpu.dma_semaphore, #tpu.memory_space<semaphore_mem>> -> memref<1x1x!tpu.dma_semaphore, #tpu.memory_space<semaphore_mem>>
    %dma_start3A_366 = tpu.memref_squeeze %dma_start3A_365 : memref<1x1x!tpu.dma_semaphore, #tpu.memory_space<semaphore_mem>> -> memref<!tpu.dma_semaphore, #tpu.memory_space<semaphore_mem>>
    %dma_start3A_367 = arith.constant 0 : i32
    %dma_start3A_368 = tpu.memref_slice %arg3[%add3A_355, %dma_start3A_367] : memref<32768x256xf32, #tpu.memory_space<hbm>> -> memref<64x256xf32, #tpu.memory_space<hbm>>
    %dma_start3A_369 = arith.constant 0 : i32
    %dma_start3A_370 = arith.constant 0 : i32
    %dma_start3A_371 = tpu.memref_slice %arg4[%dma_start3A_356, %dma_start3A_369, %dma_start3A_370] : memref<4x64x256xf32, #tpu.memory_space<vmem>> -> memref<1x64x256xf32, #tpu.memory_space<vmem>>
    %dma_start3A_372 = tpu.memref_squeeze %dma_start3A_371 : memref<1x64x256xf32, #tpu.memory_space<vmem>> -> memref<64x256xf32, #tpu.memory_space<vmem>>
    tpu.enqueue_dma source(%dma_start3A_372 : memref<64x256xf32, #tpu.memory_space<vmem>>) target(%dma_start3A_368 : memref<64x256xf32, #tpu.memory_space<hbm>>) target_semaphore(%dma_start3A_366 : memref<!tpu.dma_semaphore, #tpu.memory_space<semaphore_mem>>)
    %dma_wait3A_373 = arith.constant 3 : i32
    %dma_wait3A_374 = arith.constant 3 : i32
    %dma_wait3A_375 = arith.constant 0 : i32
    %dma_wait3A_376 = arith.constant 0 : i32
    %dma_wait3A_377 = tpu.memref_slice %arg4[%dma_wait3A_373, %dma_wait3A_375, %dma_wait3A_376] : memref<4x64x256xf32, #tpu.memory_space<vmem>> -> memref<1x64x256xf32, #tpu.memory_space<vmem>>
    %dma_wait3A_378 = tpu.memref_squeeze %dma_wait3A_377 : memref<1x64x256xf32, #tpu.memory_space<vmem>> -> memref<64x256xf32, #tpu.memory_space<vmem>>
    %dma_wait3A_379 = arith.constant 0 : i32
    %dma_wait3A_380 = tpu.memref_slice %arg2[%add3A_10, %dma_wait3A_379] : memref<8192x256xf32, #tpu.memory_space<hbm>> -> memref<64x256xf32, #tpu.memory_space<hbm>>
    %dma_wait3A_381 = tpu.memref_slice %arg5[%dma_wait3A_374] : memref<4x!tpu.dma_semaphore, #tpu.memory_space<semaphore_mem>> -> memref<1x!tpu.dma_semaphore, #tpu.memory_space<semaphore_mem>>
    %dma_wait3A_382 = tpu.memref_squeeze %dma_wait3A_381 : memref<1x!tpu.dma_semaphore, #tpu.memory_space<semaphore_mem>> -> memref<!tpu.dma_semaphore, #tpu.memory_space<semaphore_mem>>
    %dma_wait3A_383 = arith.constant 0 : i32
    %dma_wait3A_384 = arith.constant 0 : i32
    %dma_wait3A_385 = tpu.memref_slice %arg4[%dma_wait3A_373, %dma_wait3A_383, %dma_wait3A_384] : memref<4x64x256xf32, #tpu.memory_space<vmem>> -> memref<1x64x256xf32, #tpu.memory_space<vmem>>
    %dma_wait3A_386 = tpu.memref_squeeze %dma_wait3A_385 : memref<1x64x256xf32, #tpu.memory_space<vmem>> -> memref<64x256xf32, #tpu.memory_space<vmem>>
    %dma_wait3A_387 = arith.constant 0 : i32
    %dma_wait3A_388 = tpu.memref_slice %arg2[%add3A_10, %dma_wait3A_387] : memref<8192x256xf32, #tpu.memory_space<hbm>> -> memref<64x256xf32, #tpu.memory_space<hbm>>
    tpu.wait_dma2 semaphore(%dma_wait3A_382 : memref<!tpu.dma_semaphore, #tpu.memory_space<semaphore_mem>>) src(%dma_wait3A_388 : memref<64x256xf32, #tpu.memory_space<hbm>>) dst(%dma_wait3A_386 : memref<64x256xf32, #tpu.memory_space<vmem>>)
    %add3A_389 = arith.constant 0 : i32
    %add3A_390 = arith.addi %add3A_389, %mul3A_2 : i32
    %add3A_391 = arith.constant 192 : i32
    %add3A_392 = arith.addi %add3A_390, %add3A_391 : i32
    %dma_start3A_393 = arith.constant 3 : i32
    %dma_start3A_394 = arith.constant 3 : i32
    %dma_start3A_395 = arith.constant 0 : i32
    %dma_start3A_396 = arith.constant 0 : i32
    %dma_start3A_397 = arith.constant 0 : i32
    %dma_start3A_398 = tpu.memref_slice %arg4[%dma_start3A_393, %dma_start3A_396, %dma_start3A_397] : memref<4x64x256xf32, #tpu.memory_space<vmem>> -> memref<1x64x256xf32, #tpu.memory_space<vmem>>
    %dma_start3A_399 = tpu.memref_squeeze %dma_start3A_398 : memref<1x64x256xf32, #tpu.memory_space<vmem>> -> memref<64x256xf32, #tpu.memory_space<vmem>>
    %dma_start3A_400 = arith.constant 0 : i32
    %dma_start3A_401 = tpu.memref_slice %arg3[%add3A_392, %dma_start3A_400] : memref<32768x256xf32, #tpu.memory_space<hbm>> -> memref<64x256xf32, #tpu.memory_space<hbm>>
    %dma_start3A_402 = tpu.memref_slice %arg6[%dma_start3A_394, %dma_start3A_395] : memref<4x4x!tpu.dma_semaphore, #tpu.memory_space<semaphore_mem>> -> memref<1x1x!tpu.dma_semaphore, #tpu.memory_space<semaphore_mem>>
    %dma_start3A_403 = tpu.memref_squeeze %dma_start3A_402 : memref<1x1x!tpu.dma_semaphore, #tpu.memory_space<semaphore_mem>> -> memref<!tpu.dma_semaphore, #tpu.memory_space<semaphore_mem>>
    %dma_start3A_404 = arith.constant 0 : i32
    %dma_start3A_405 = tpu.memref_slice %arg3[%add3A_392, %dma_start3A_404] : memref<32768x256xf32, #tpu.memory_space<hbm>> -> memref<64x256xf32, #tpu.memory_space<hbm>>
    %dma_start3A_406 = arith.constant 0 : i32
    %dma_start3A_407 = arith.constant 0 : i32
    %dma_start3A_408 = tpu.memref_slice %arg4[%dma_start3A_393, %dma_start3A_406, %dma_start3A_407] : memref<4x64x256xf32, #tpu.memory_space<vmem>> -> memref<1x64x256xf32, #tpu.memory_space<vmem>>
    %dma_start3A_409 = tpu.memref_squeeze %dma_start3A_408 : memref<1x64x256xf32, #tpu.memory_space<vmem>> -> memref<64x256xf32, #tpu.memory_space<vmem>>
    tpu.enqueue_dma source(%dma_start3A_409 : memref<64x256xf32, #tpu.memory_space<vmem>>) target(%dma_start3A_405 : memref<64x256xf32, #tpu.memory_space<hbm>>) target_semaphore(%dma_start3A_403 : memref<!tpu.dma_semaphore, #tpu.memory_space<semaphore_mem>>)
    %add3A_410 = arith.constant 8192 : i32
    %add3A_411 = arith.addi %add3A_410, %mul3A_2 : i32
    %add3A_412 = arith.constant 192 : i32
    %add3A_413 = arith.addi %add3A_411, %add3A_412 : i32
    %dma_start3A_414 = arith.constant 3 : i32
    %dma_start3A_415 = arith.constant 3 : i32
    %dma_start3A_416 = arith.constant 1 : i32
    %dma_start3A_417 = arith.constant 0 : i32
    %dma_start3A_418 = arith.constant 0 : i32
    %dma_start3A_419 = tpu.memref_slice %arg4[%dma_start3A_414, %dma_start3A_417, %dma_start3A_418] : memref<4x64x256xf32, #tpu.memory_space<vmem>> -> memref<1x64x256xf32, #tpu.memory_space<vmem>>
    %dma_start3A_420 = tpu.memref_squeeze %dma_start3A_419 : memref<1x64x256xf32, #tpu.memory_space<vmem>> -> memref<64x256xf32, #tpu.memory_space<vmem>>
    %dma_start3A_421 = arith.constant 0 : i32
    %dma_start3A_422 = tpu.memref_slice %arg3[%add3A_413, %dma_start3A_421] : memref<32768x256xf32, #tpu.memory_space<hbm>> -> memref<64x256xf32, #tpu.memory_space<hbm>>
    %dma_start3A_423 = tpu.memref_slice %arg6[%dma_start3A_415, %dma_start3A_416] : memref<4x4x!tpu.dma_semaphore, #tpu.memory_space<semaphore_mem>> -> memref<1x1x!tpu.dma_semaphore, #tpu.memory_space<semaphore_mem>>
    %dma_start3A_424 = tpu.memref_squeeze %dma_start3A_423 : memref<1x1x!tpu.dma_semaphore, #tpu.memory_space<semaphore_mem>> -> memref<!tpu.dma_semaphore, #tpu.memory_space<semaphore_mem>>
    %dma_start3A_425 = arith.constant 0 : i32
    %dma_start3A_426 = tpu.memref_slice %arg3[%add3A_413, %dma_start3A_425] : memref<32768x256xf32, #tpu.memory_space<hbm>> -> memref<64x256xf32, #tpu.memory_space<hbm>>
    %dma_start3A_427 = arith.constant 0 : i32
    %dma_start3A_428 = arith.constant 0 : i32
    %dma_start3A_429 = tpu.memref_slice %arg4[%dma_start3A_414, %dma_start3A_427, %dma_start3A_428] : memref<4x64x256xf32, #tpu.memory_space<vmem>> -> memref<1x64x256xf32, #tpu.memory_space<vmem>>
    %dma_start3A_430 = tpu.memref_squeeze %dma_start3A_429 : memref<1x64x256xf32, #tpu.memory_space<vmem>> -> memref<64x256xf32, #tpu.memory_space<vmem>>
    tpu.enqueue_dma source(%dma_start3A_430 : memref<64x256xf32, #tpu.memory_space<vmem>>) target(%dma_start3A_426 : memref<64x256xf32, #tpu.memory_space<hbm>>) target_semaphore(%dma_start3A_424 : memref<!tpu.dma_semaphore, #tpu.memory_space<semaphore_mem>>)
    %add3A_431 = arith.constant 16384 : i32
    %add3A_432 = arith.addi %add3A_431, %mul3A_2 : i32
    %add3A_433 = arith.constant 192 : i32
    %add3A_434 = arith.addi %add3A_432, %add3A_433 : i32
    %dma_start3A_435 = arith.constant 3 : i32
    %dma_start3A_436 = arith.constant 3 : i32
    %dma_start3A_437 = arith.constant 2 : i32
    %dma_start3A_438 = arith.constant 0 : i32
    %dma_start3A_439 = arith.constant 0 : i32
    %dma_start3A_440 = tpu.memref_slice %arg4[%dma_start3A_435, %dma_start3A_438, %dma_start3A_439] : memref<4x64x256xf32, #tpu.memory_space<vmem>> -> memref<1x64x256xf32, #tpu.memory_space<vmem>>
    %dma_start3A_441 = tpu.memref_squeeze %dma_start3A_440 : memref<1x64x256xf32, #tpu.memory_space<vmem>> -> memref<64x256xf32, #tpu.memory_space<vmem>>
    %dma_start3A_442 = arith.constant 0 : i32
    %dma_start3A_443 = tpu.memref_slice %arg3[%add3A_434, %dma_start3A_442] : memref<32768x256xf32, #tpu.memory_space<hbm>> -> memref<64x256xf32, #tpu.memory_space<hbm>>
    %dma_start3A_444 = tpu.memref_slice %arg6[%dma_start3A_436, %dma_start3A_437] : memref<4x4x!tpu.dma_semaphore, #tpu.memory_space<semaphore_mem>> -> memref<1x1x!tpu.dma_semaphore, #tpu.memory_space<semaphore_mem>>
    %dma_start3A_445 = tpu.memref_squeeze %dma_start3A_444 : memref<1x1x!tpu.dma_semaphore, #tpu.memory_space<semaphore_mem>> -> memref<!tpu.dma_semaphore, #tpu.memory_space<semaphore_mem>>
    %dma_start3A_446 = arith.constant 0 : i32
    %dma_start3A_447 = tpu.memref_slice %arg3[%add3A_434, %dma_start3A_446] : memref<32768x256xf32, #tpu.memory_space<hbm>> -> memref<64x256xf32, #tpu.memory_space<hbm>>
    %dma_start3A_448 = arith.constant 0 : i32
    %dma_start3A_449 = arith.constant 0 : i32
    %dma_start3A_450 = tpu.memref_slice %arg4[%dma_start3A_435, %dma_start3A_448, %dma_start3A_449] : memref<4x64x256xf32, #tpu.memory_space<vmem>> -> memref<1x64x256xf32, #tpu.memory_space<vmem>>
    %dma_start3A_451 = tpu.memref_squeeze %dma_start3A_450 : memref<1x64x256xf32, #tpu.memory_space<vmem>> -> memref<64x256xf32, #tpu.memory_space<vmem>>
    tpu.enqueue_dma source(%dma_start3A_451 : memref<64x256xf32, #tpu.memory_space<vmem>>) target(%dma_start3A_447 : memref<64x256xf32, #tpu.memory_space<hbm>>) target_semaphore(%dma_start3A_445 : memref<!tpu.dma_semaphore, #tpu.memory_space<semaphore_mem>>)
    %add3A_452 = arith.constant 24576 : i32
    %add3A_453 = arith.addi %add3A_452, %mul3A_2 : i32
    %add3A_454 = arith.constant 192 : i32
    %add3A_455 = arith.addi %add3A_453, %add3A_454 : i32
    %dma_start3A_456 = arith.constant 3 : i32
    %dma_start3A_457 = arith.constant 3 : i32
    %dma_start3A_458 = arith.constant 3 : i32
    %dma_start3A_459 = arith.constant 0 : i32
    %dma_start3A_460 = arith.constant 0 : i32
    %dma_start3A_461 = tpu.memref_slice %arg4[%dma_start3A_456, %dma_start3A_459, %dma_start3A_460] : memref<4x64x256xf32, #tpu.memory_space<vmem>> -> memref<1x64x256xf32, #tpu.memory_space<vmem>>
    %dma_start3A_462 = tpu.memref_squeeze %dma_start3A_461 : memref<1x64x256xf32, #tpu.memory_space<vmem>> -> memref<64x256xf32, #tpu.memory_space<vmem>>
    %dma_start3A_463 = arith.constant 0 : i32
    %dma_start3A_464 = tpu.memref_slice %arg3[%add3A_455, %dma_start3A_463] : memref<32768x256xf32, #tpu.memory_space<hbm>> -> memref<64x256xf32, #tpu.memory_space<hbm>>
    %dma_start3A_465 = tpu.memref_slice %arg6[%dma_start3A_457, %dma_start3A_458] : memref<4x4x!tpu.dma_semaphore, #tpu.memory_space<semaphore_mem>> -> memref<1x1x!tpu.dma_semaphore, #tpu.memory_space<semaphore_mem>>
    %dma_start3A_466 = tpu.memref_squeeze %dma_start3A_465 : memref<1x1x!tpu.dma_semaphore, #tpu.memory_space<semaphore_mem>> -> memref<!tpu.dma_semaphore, #tpu.memory_space<semaphore_mem>>
    %dma_start3A_467 = arith.constant 0 : i32
    %dma_start3A_468 = tpu.memref_slice %arg3[%add3A_455, %dma_start3A_467] : memref<32768x256xf32, #tpu.memory_space<hbm>> -> memref<64x256xf32, #tpu.memory_space<hbm>>
    %dma_start3A_469 = arith.constant 0 : i32
    %dma_start3A_470 = arith.constant 0 : i32
    %dma_start3A_471 = tpu.memref_slice %arg4[%dma_start3A_456, %dma_start3A_469, %dma_start3A_470] : memref<4x64x256xf32, #tpu.memory_space<vmem>> -> memref<1x64x256xf32, #tpu.memory_space<vmem>>
    %dma_start3A_472 = tpu.memref_squeeze %dma_start3A_471 : memref<1x64x256xf32, #tpu.memory_space<vmem>> -> memref<64x256xf32, #tpu.memory_space<vmem>>
    tpu.enqueue_dma source(%dma_start3A_472 : memref<64x256xf32, #tpu.memory_space<vmem>>) target(%dma_start3A_468 : memref<64x256xf32, #tpu.memory_space<hbm>>) target_semaphore(%dma_start3A_466 : memref<!tpu.dma_semaphore, #tpu.memory_space<semaphore_mem>>)
    %dma_wait3A_473 = arith.constant 0 : i32
    %dma_wait3A_474 = arith.constant 0 : i32
    %dma_wait3A_475 = arith.constant 0 : i32
    %dma_wait3A_476 = arith.constant 0 : i32
    %dma_wait3A_477 = arith.constant 0 : i32
    %dma_wait3A_478 = tpu.memref_slice %arg4[%dma_wait3A_473, %dma_wait3A_476, %dma_wait3A_477] : memref<4x64x256xf32, #tpu.memory_space<vmem>> -> memref<1x64x256xf32, #tpu.memory_space<vmem>>
    %dma_wait3A_479 = tpu.memref_squeeze %dma_wait3A_478 : memref<1x64x256xf32, #tpu.memory_space<vmem>> -> memref<64x256xf32, #tpu.memory_space<vmem>>
    %dma_wait3A_480 = arith.constant 0 : i32
    %dma_wait3A_481 = tpu.memref_slice %arg3[%add3A_92, %dma_wait3A_480] : memref<32768x256xf32, #tpu.memory_space<hbm>> -> memref<64x256xf32, #tpu.memory_space<hbm>>
    %dma_wait3A_482 = tpu.memref_slice %arg6[%dma_wait3A_474, %dma_wait3A_475] : memref<4x4x!tpu.dma_semaphore, #tpu.memory_space<semaphore_mem>> -> memref<1x1x!tpu.dma_semaphore, #tpu.memory_space<semaphore_mem>>
    %dma_wait3A_483 = tpu.memref_squeeze %dma_wait3A_482 : memref<1x1x!tpu.dma_semaphore, #tpu.memory_space<semaphore_mem>> -> memref<!tpu.dma_semaphore, #tpu.memory_space<semaphore_mem>>
    %dma_wait3A_484 = arith.constant 0 : i32
    %dma_wait3A_485 = tpu.memref_slice %arg3[%add3A_92, %dma_wait3A_484] : memref<32768x256xf32, #tpu.memory_space<hbm>> -> memref<64x256xf32, #tpu.memory_space<hbm>>
    %dma_wait3A_486 = arith.constant 0 : i32
    %dma_wait3A_487 = arith.constant 0 : i32
    %dma_wait3A_488 = tpu.memref_slice %arg4[%dma_wait3A_473, %dma_wait3A_486, %dma_wait3A_487] : memref<4x64x256xf32, #tpu.memory_space<vmem>> -> memref<1x64x256xf32, #tpu.memory_space<vmem>>
    %dma_wait3A_489 = tpu.memref_squeeze %dma_wait3A_488 : memref<1x64x256xf32, #tpu.memory_space<vmem>> -> memref<64x256xf32, #tpu.memory_space<vmem>>
    tpu.wait_dma2 semaphore(%dma_wait3A_483 : memref<!tpu.dma_semaphore, #tpu.memory_space<semaphore_mem>>) src(%dma_wait3A_489 : memref<64x256xf32, #tpu.memory_space<vmem>>) dst(%dma_wait3A_485 : memref<64x256xf32, #tpu.memory_space<hbm>>)
    %dma_wait3A_490 = arith.constant 0 : i32
    %dma_wait3A_491 = arith.constant 0 : i32
    %dma_wait3A_492 = arith.constant 1 : i32
    %dma_wait3A_493 = arith.constant 0 : i32
    %dma_wait3A_494 = arith.constant 0 : i32
    %dma_wait3A_495 = tpu.memref_slice %arg4[%dma_wait3A_490, %dma_wait3A_493, %dma_wait3A_494] : memref<4x64x256xf32, #tpu.memory_space<vmem>> -> memref<1x64x256xf32, #tpu.memory_space<vmem>>
    %dma_wait3A_496 = tpu.memref_squeeze %dma_wait3A_495 : memref<1x64x256xf32, #tpu.memory_space<vmem>> -> memref<64x256xf32, #tpu.memory_space<vmem>>
    %dma_wait3A_497 = arith.constant 0 : i32
    %dma_wait3A_498 = tpu.memref_slice %arg3[%add3A_113, %dma_wait3A_497] : memref<32768x256xf32, #tpu.memory_space<hbm>> -> memref<64x256xf32, #tpu.memory_space<hbm>>
    %dma_wait3A_499 = tpu.memref_slice %arg6[%dma_wait3A_491, %dma_wait3A_492] : memref<4x4x!tpu.dma_semaphore, #tpu.memory_space<semaphore_mem>> -> memref<1x1x!tpu.dma_semaphore, #tpu.memory_space<semaphore_mem>>
    %dma_wait3A_500 = tpu.memref_squeeze %dma_wait3A_499 : memref<1x1x!tpu.dma_semaphore, #tpu.memory_space<semaphore_mem>> -> memref<!tpu.dma_semaphore, #tpu.memory_space<semaphore_mem>>
    %dma_wait3A_501 = arith.constant 0 : i32
    %dma_wait3A_502 = tpu.memref_slice %arg3[%add3A_113, %dma_wait3A_501] : memref<32768x256xf32, #tpu.memory_space<hbm>> -> memref<64x256xf32, #tpu.memory_space<hbm>>
    %dma_wait3A_503 = arith.constant 0 : i32
    %dma_wait3A_504 = arith.constant 0 : i32
    %dma_wait3A_505 = tpu.memref_slice %arg4[%dma_wait3A_490, %dma_wait3A_503, %dma_wait3A_504] : memref<4x64x256xf32, #tpu.memory_space<vmem>> -> memref<1x64x256xf32, #tpu.memory_space<vmem>>
    %dma_wait3A_506 = tpu.memref_squeeze %dma_wait3A_505 : memref<1x64x256xf32, #tpu.memory_space<vmem>> -> memref<64x256xf32, #tpu.memory_space<vmem>>
    tpu.wait_dma2 semaphore(%dma_wait3A_500 : memref<!tpu.dma_semaphore, #tpu.memory_space<semaphore_mem>>) src(%dma_wait3A_506 : memref<64x256xf32, #tpu.memory_space<vmem>>) dst(%dma_wait3A_502 : memref<64x256xf32, #tpu.memory_space<hbm>>)
    %dma_wait3A_507 = arith.constant 0 : i32
    %dma_wait3A_508 = arith.constant 0 : i32
    %dma_wait3A_509 = arith.constant 2 : i32
    %dma_wait3A_510 = arith.constant 0 : i32
    %dma_wait3A_511 = arith.constant 0 : i32
    %dma_wait3A_512 = tpu.memref_slice %arg4[%dma_wait3A_507, %dma_wait3A_510, %dma_wait3A_511] : memref<4x64x256xf32, #tpu.memory_space<vmem>> -> memref<1x64x256xf32, #tpu.memory_space<vmem>>
    %dma_wait3A_513 = tpu.memref_squeeze %dma_wait3A_512 : memref<1x64x256xf32, #tpu.memory_space<vmem>> -> memref<64x256xf32, #tpu.memory_space<vmem>>
    %dma_wait3A_514 = arith.constant 0 : i32
    %dma_wait3A_515 = tpu.memref_slice %arg3[%add3A_134, %dma_wait3A_514] : memref<32768x256xf32, #tpu.memory_space<hbm>> -> memref<64x256xf32, #tpu.memory_space<hbm>>
    %dma_wait3A_516 = tpu.memref_slice %arg6[%dma_wait3A_508, %dma_wait3A_509] : memref<4x4x!tpu.dma_semaphore, #tpu.memory_space<semaphore_mem>> -> memref<1x1x!tpu.dma_semaphore, #tpu.memory_space<semaphore_mem>>
    %dma_wait3A_517 = tpu.memref_squeeze %dma_wait3A_516 : memref<1x1x!tpu.dma_semaphore, #tpu.memory_space<semaphore_mem>> -> memref<!tpu.dma_semaphore, #tpu.memory_space<semaphore_mem>>
    %dma_wait3A_518 = arith.constant 0 : i32
    %dma_wait3A_519 = tpu.memref_slice %arg3[%add3A_134, %dma_wait3A_518] : memref<32768x256xf32, #tpu.memory_space<hbm>> -> memref<64x256xf32, #tpu.memory_space<hbm>>
    %dma_wait3A_520 = arith.constant 0 : i32
    %dma_wait3A_521 = arith.constant 0 : i32
    %dma_wait3A_522 = tpu.memref_slice %arg4[%dma_wait3A_507, %dma_wait3A_520, %dma_wait3A_521] : memref<4x64x256xf32, #tpu.memory_space<vmem>> -> memref<1x64x256xf32, #tpu.memory_space<vmem>>
    %dma_wait3A_523 = tpu.memref_squeeze %dma_wait3A_522 : memref<1x64x256xf32, #tpu.memory_space<vmem>> -> memref<64x256xf32, #tpu.memory_space<vmem>>
    tpu.wait_dma2 semaphore(%dma_wait3A_517 : memref<!tpu.dma_semaphore, #tpu.memory_space<semaphore_mem>>) src(%dma_wait3A_523 : memref<64x256xf32, #tpu.memory_space<vmem>>) dst(%dma_wait3A_519 : memref<64x256xf32, #tpu.memory_space<hbm>>)
    %dma_wait3A_524 = arith.constant 0 : i32
    %dma_wait3A_525 = arith.constant 0 : i32
    %dma_wait3A_526 = arith.constant 3 : i32
    %dma_wait3A_527 = arith.constant 0 : i32
    %dma_wait3A_528 = arith.constant 0 : i32
    %dma_wait3A_529 = tpu.memref_slice %arg4[%dma_wait3A_524, %dma_wait3A_527, %dma_wait3A_528] : memref<4x64x256xf32, #tpu.memory_space<vmem>> -> memref<1x64x256xf32, #tpu.memory_space<vmem>>
    %dma_wait3A_530 = tpu.memref_squeeze %dma_wait3A_529 : memref<1x64x256xf32, #tpu.memory_space<vmem>> -> memref<64x256xf32, #tpu.memory_space<vmem>>
    %dma_wait3A_531 = arith.constant 0 : i32
    %dma_wait3A_532 = tpu.memref_slice %arg3[%add3A_155, %dma_wait3A_531] : memref<32768x256xf32, #tpu.memory_space<hbm>> -> memref<64x256xf32, #tpu.memory_space<hbm>>
    %dma_wait3A_533 = tpu.memref_slice %arg6[%dma_wait3A_525, %dma_wait3A_526] : memref<4x4x!tpu.dma_semaphore, #tpu.memory_space<semaphore_mem>> -> memref<1x1x!tpu.dma_semaphore, #tpu.memory_space<semaphore_mem>>
    %dma_wait3A_534 = tpu.memref_squeeze %dma_wait3A_533 : memref<1x1x!tpu.dma_semaphore, #tpu.memory_space<semaphore_mem>> -> memref<!tpu.dma_semaphore, #tpu.memory_space<semaphore_mem>>
    %dma_wait3A_535 = arith.constant 0 : i32
    %dma_wait3A_536 = tpu.memref_slice %arg3[%add3A_155, %dma_wait3A_535] : memref<32768x256xf32, #tpu.memory_space<hbm>> -> memref<64x256xf32, #tpu.memory_space<hbm>>
    %dma_wait3A_537 = arith.constant 0 : i32
    %dma_wait3A_538 = arith.constant 0 : i32
    %dma_wait3A_539 = tpu.memref_slice %arg4[%dma_wait3A_524, %dma_wait3A_537, %dma_wait3A_538] : memref<4x64x256xf32, #tpu.memory_space<vmem>> -> memref<1x64x256xf32, #tpu.memory_space<vmem>>
    %dma_wait3A_540 = tpu.memref_squeeze %dma_wait3A_539 : memref<1x64x256xf32, #tpu.memory_space<vmem>> -> memref<64x256xf32, #tpu.memory_space<vmem>>
    tpu.wait_dma2 semaphore(%dma_wait3A_534 : memref<!tpu.dma_semaphore, #tpu.memory_space<semaphore_mem>>) src(%dma_wait3A_540 : memref<64x256xf32, #tpu.memory_space<vmem>>) dst(%dma_wait3A_536 : memref<64x256xf32, #tpu.memory_space<hbm>>)
    %dma_wait3A_541 = arith.constant 1 : i32
    %dma_wait3A_542 = arith.constant 1 : i32
    %dma_wait3A_543 = arith.constant 0 : i32
    %dma_wait3A_544 = arith.constant 0 : i32
    %dma_wait3A_545 = arith.constant 0 : i32
    %dma_wait3A_546 = tpu.memref_slice %arg4[%dma_wait3A_541, %dma_wait3A_544, %dma_wait3A_545] : memref<4x64x256xf32, #tpu.memory_space<vmem>> -> memref<1x64x256xf32, #tpu.memory_space<vmem>>
    %dma_wait3A_547 = tpu.memref_squeeze %dma_wait3A_546 : memref<1x64x256xf32, #tpu.memory_space<vmem>> -> memref<64x256xf32, #tpu.memory_space<vmem>>
    %dma_wait3A_548 = arith.constant 0 : i32
    %dma_wait3A_549 = tpu.memref_slice %arg3[%add3A_192, %dma_wait3A_548] : memref<32768x256xf32, #tpu.memory_space<hbm>> -> memref<64x256xf32, #tpu.memory_space<hbm>>
    %dma_wait3A_550 = tpu.memref_slice %arg6[%dma_wait3A_542, %dma_wait3A_543] : memref<4x4x!tpu.dma_semaphore, #tpu.memory_space<semaphore_mem>> -> memref<1x1x!tpu.dma_semaphore, #tpu.memory_space<semaphore_mem>>
    %dma_wait3A_551 = tpu.memref_squeeze %dma_wait3A_550 : memref<1x1x!tpu.dma_semaphore, #tpu.memory_space<semaphore_mem>> -> memref<!tpu.dma_semaphore, #tpu.memory_space<semaphore_mem>>
    %dma_wait3A_552 = arith.constant 0 : i32
    %dma_wait3A_553 = tpu.memref_slice %arg3[%add3A_192, %dma_wait3A_552] : memref<32768x256xf32, #tpu.memory_space<hbm>> -> memref<64x256xf32, #tpu.memory_space<hbm>>
    %dma_wait3A_554 = arith.constant 0 : i32
    %dma_wait3A_555 = arith.constant 0 : i32
    %dma_wait3A_556 = tpu.memref_slice %arg4[%dma_wait3A_541, %dma_wait3A_554, %dma_wait3A_555] : memref<4x64x256xf32, #tpu.memory_space<vmem>> -> memref<1x64x256xf32, #tpu.memory_space<vmem>>
    %dma_wait3A_557 = tpu.memref_squeeze %dma_wait3A_556 : memref<1x64x256xf32, #tpu.memory_space<vmem>> -> memref<64x256xf32, #tpu.memory_space<vmem>>
    tpu.wait_dma2 semaphore(%dma_wait3A_551 : memref<!tpu.dma_semaphore, #tpu.memory_space<semaphore_mem>>) src(%dma_wait3A_557 : memref<64x256xf32, #tpu.memory_space<vmem>>) dst(%dma_wait3A_553 : memref<64x256xf32, #tpu.memory_space<hbm>>)
    %dma_wait3A_558 = arith.constant 1 : i32
    %dma_wait3A_559 = arith.constant 1 : i32
    %dma_wait3A_560 = arith.constant 1 : i32
    %dma_wait3A_561 = arith.constant 0 : i32
    %dma_wait3A_562 = arith.constant 0 : i32
    %dma_wait3A_563 = tpu.memref_slice %arg4[%dma_wait3A_558, %dma_wait3A_561, %dma_wait3A_562] : memref<4x64x256xf32, #tpu.memory_space<vmem>> -> memref<1x64x256xf32, #tpu.memory_space<vmem>>
    %dma_wait3A_564 = tpu.memref_squeeze %dma_wait3A_563 : memref<1x64x256xf32, #tpu.memory_space<vmem>> -> memref<64x256xf32, #tpu.memory_space<vmem>>
    %dma_wait3A_565 = arith.constant 0 : i32
    %dma_wait3A_566 = tpu.memref_slice %arg3[%add3A_213, %dma_wait3A_565] : memref<32768x256xf32, #tpu.memory_space<hbm>> -> memref<64x256xf32, #tpu.memory_space<hbm>>
    %dma_wait3A_567 = tpu.memref_slice %arg6[%dma_wait3A_559, %dma_wait3A_560] : memref<4x4x!tpu.dma_semaphore, #tpu.memory_space<semaphore_mem>> -> memref<1x1x!tpu.dma_semaphore, #tpu.memory_space<semaphore_mem>>
    %dma_wait3A_568 = tpu.memref_squeeze %dma_wait3A_567 : memref<1x1x!tpu.dma_semaphore, #tpu.memory_space<semaphore_mem>> -> memref<!tpu.dma_semaphore, #tpu.memory_space<semaphore_mem>>
    %dma_wait3A_569 = arith.constant 0 : i32
    %dma_wait3A_570 = tpu.memref_slice %arg3[%add3A_213, %dma_wait3A_569] : memref<32768x256xf32, #tpu.memory_space<hbm>> -> memref<64x256xf32, #tpu.memory_space<hbm>>
    %dma_wait3A_571 = arith.constant 0 : i32
    %dma_wait3A_572 = arith.constant 0 : i32
    %dma_wait3A_573 = tpu.memref_slice %arg4[%dma_wait3A_558, %dma_wait3A_571, %dma_wait3A_572] : memref<4x64x256xf32, #tpu.memory_space<vmem>> -> memref<1x64x256xf32, #tpu.memory_space<vmem>>
    %dma_wait3A_574 = tpu.memref_squeeze %dma_wait3A_573 : memref<1x64x256xf32, #tpu.memory_space<vmem>> -> memref<64x256xf32, #tpu.memory_space<vmem>>
    tpu.wait_dma2 semaphore(%dma_wait3A_568 : memref<!tpu.dma_semaphore, #tpu.memory_space<semaphore_mem>>) src(%dma_wait3A_574 : memref<64x256xf32, #tpu.memory_space<vmem>>) dst(%dma_wait3A_570 : memref<64x256xf32, #tpu.memory_space<hbm>>)
    %dma_wait3A_575 = arith.constant 1 : i32
    %dma_wait3A_576 = arith.constant 1 : i32
    %dma_wait3A_577 = arith.constant 2 : i32
    %dma_wait3A_578 = arith.constant 0 : i32
    %dma_wait3A_579 = arith.constant 0 : i32
    %dma_wait3A_580 = tpu.memref_slice %arg4[%dma_wait3A_575, %dma_wait3A_578, %dma_wait3A_579] : memref<4x64x256xf32, #tpu.memory_space<vmem>> -> memref<1x64x256xf32, #tpu.memory_space<vmem>>
    %dma_wait3A_581 = tpu.memref_squeeze %dma_wait3A_580 : memref<1x64x256xf32, #tpu.memory_space<vmem>> -> memref<64x256xf32, #tpu.memory_space<vmem>>
    %dma_wait3A_582 = arith.constant 0 : i32
    %dma_wait3A_583 = tpu.memref_slice %arg3[%add3A_234, %dma_wait3A_582] : memref<32768x256xf32, #tpu.memory_space<hbm>> -> memref<64x256xf32, #tpu.memory_space<hbm>>
    %dma_wait3A_584 = tpu.memref_slice %arg6[%dma_wait3A_576, %dma_wait3A_577] : memref<4x4x!tpu.dma_semaphore, #tpu.memory_space<semaphore_mem>> -> memref<1x1x!tpu.dma_semaphore, #tpu.memory_space<semaphore_mem>>
    %dma_wait3A_585 = tpu.memref_squeeze %dma_wait3A_584 : memref<1x1x!tpu.dma_semaphore, #tpu.memory_space<semaphore_mem>> -> memref<!tpu.dma_semaphore, #tpu.memory_space<semaphore_mem>>
    %dma_wait3A_586 = arith.constant 0 : i32
    %dma_wait3A_587 = tpu.memref_slice %arg3[%add3A_234, %dma_wait3A_586] : memref<32768x256xf32, #tpu.memory_space<hbm>> -> memref<64x256xf32, #tpu.memory_space<hbm>>
    %dma_wait3A_588 = arith.constant 0 : i32
    %dma_wait3A_589 = arith.constant 0 : i32
    %dma_wait3A_590 = tpu.memref_slice %arg4[%dma_wait3A_575, %dma_wait3A_588, %dma_wait3A_589] : memref<4x64x256xf32, #tpu.memory_space<vmem>> -> memref<1x64x256xf32, #tpu.memory_space<vmem>>
    %dma_wait3A_591 = tpu.memref_squeeze %dma_wait3A_590 : memref<1x64x256xf32, #tpu.memory_space<vmem>> -> memref<64x256xf32, #tpu.memory_space<vmem>>
    tpu.wait_dma2 semaphore(%dma_wait3A_585 : memref<!tpu.dma_semaphore, #tpu.memory_space<semaphore_mem>>) src(%dma_wait3A_591 : memref<64x256xf32, #tpu.memory_space<vmem>>) dst(%dma_wait3A_587 : memref<64x256xf32, #tpu.memory_space<hbm>>)
    %dma_wait3A_592 = arith.constant 1 : i32
    %dma_wait3A_593 = arith.constant 1 : i32
    %dma_wait3A_594 = arith.constant 3 : i32
    %dma_wait3A_595 = arith.constant 0 : i32
    %dma_wait3A_596 = arith.constant 0 : i32
    %dma_wait3A_597 = tpu.memref_slice %arg4[%dma_wait3A_592, %dma_wait3A_595, %dma_wait3A_596] : memref<4x64x256xf32, #tpu.memory_space<vmem>> -> memref<1x64x256xf32, #tpu.memory_space<vmem>>
    %dma_wait3A_598 = tpu.memref_squeeze %dma_wait3A_597 : memref<1x64x256xf32, #tpu.memory_space<vmem>> -> memref<64x256xf32, #tpu.memory_space<vmem>>
    %dma_wait3A_599 = arith.constant 0 : i32
    %dma_wait3A_600 = tpu.memref_slice %arg3[%add3A_255, %dma_wait3A_599] : memref<32768x256xf32, #tpu.memory_space<hbm>> -> memref<64x256xf32, #tpu.memory_space<hbm>>
    %dma_wait3A_601 = tpu.memref_slice %arg6[%dma_wait3A_593, %dma_wait3A_594] : memref<4x4x!tpu.dma_semaphore, #tpu.memory_space<semaphore_mem>> -> memref<1x1x!tpu.dma_semaphore, #tpu.memory_space<semaphore_mem>>
    %dma_wait3A_602 = tpu.memref_squeeze %dma_wait3A_601 : memref<1x1x!tpu.dma_semaphore, #tpu.memory_space<semaphore_mem>> -> memref<!tpu.dma_semaphore, #tpu.memory_space<semaphore_mem>>
    %dma_wait3A_603 = arith.constant 0 : i32
    %dma_wait3A_604 = tpu.memref_slice %arg3[%add3A_255, %dma_wait3A_603] : memref<32768x256xf32, #tpu.memory_space<hbm>> -> memref<64x256xf32, #tpu.memory_space<hbm>>
    %dma_wait3A_605 = arith.constant 0 : i32
    %dma_wait3A_606 = arith.constant 0 : i32
    %dma_wait3A_607 = tpu.memref_slice %arg4[%dma_wait3A_592, %dma_wait3A_605, %dma_wait3A_606] : memref<4x64x256xf32, #tpu.memory_space<vmem>> -> memref<1x64x256xf32, #tpu.memory_space<vmem>>
    %dma_wait3A_608 = tpu.memref_squeeze %dma_wait3A_607 : memref<1x64x256xf32, #tpu.memory_space<vmem>> -> memref<64x256xf32, #tpu.memory_space<vmem>>
    tpu.wait_dma2 semaphore(%dma_wait3A_602 : memref<!tpu.dma_semaphore, #tpu.memory_space<semaphore_mem>>) src(%dma_wait3A_608 : memref<64x256xf32, #tpu.memory_space<vmem>>) dst(%dma_wait3A_604 : memref<64x256xf32, #tpu.memory_space<hbm>>)
    %dma_wait3A_609 = arith.constant 2 : i32
    %dma_wait3A_610 = arith.constant 2 : i32
    %dma_wait3A_611 = arith.constant 0 : i32
    %dma_wait3A_612 = arith.constant 0 : i32
    %dma_wait3A_613 = arith.constant 0 : i32
    %dma_wait3A_614 = tpu.memref_slice %arg4[%dma_wait3A_609, %dma_wait3A_612, %dma_wait3A_613] : memref<4x64x256xf32, #tpu.memory_space<vmem>> -> memref<1x64x256xf32, #tpu.memory_space<vmem>>
    %dma_wait3A_615 = tpu.memref_squeeze %dma_wait3A_614 : memref<1x64x256xf32, #tpu.memory_space<vmem>> -> memref<64x256xf32, #tpu.memory_space<vmem>>
    %dma_wait3A_616 = arith.constant 0 : i32
    %dma_wait3A_617 = tpu.memref_slice %arg3[%add3A_292, %dma_wait3A_616] : memref<32768x256xf32, #tpu.memory_space<hbm>> -> memref<64x256xf32, #tpu.memory_space<hbm>>
    %dma_wait3A_618 = tpu.memref_slice %arg6[%dma_wait3A_610, %dma_wait3A_611] : memref<4x4x!tpu.dma_semaphore, #tpu.memory_space<semaphore_mem>> -> memref<1x1x!tpu.dma_semaphore, #tpu.memory_space<semaphore_mem>>
    %dma_wait3A_619 = tpu.memref_squeeze %dma_wait3A_618 : memref<1x1x!tpu.dma_semaphore, #tpu.memory_space<semaphore_mem>> -> memref<!tpu.dma_semaphore, #tpu.memory_space<semaphore_mem>>
    %dma_wait3A_620 = arith.constant 0 : i32
    %dma_wait3A_621 = tpu.memref_slice %arg3[%add3A_292, %dma_wait3A_620] : memref<32768x256xf32, #tpu.memory_space<hbm>> -> memref<64x256xf32, #tpu.memory_space<hbm>>
    %dma_wait3A_622 = arith.constant 0 : i32
    %dma_wait3A_623 = arith.constant 0 : i32
    %dma_wait3A_624 = tpu.memref_slice %arg4[%dma_wait3A_609, %dma_wait3A_622, %dma_wait3A_623] : memref<4x64x256xf32, #tpu.memory_space<vmem>> -> memref<1x64x256xf32, #tpu.memory_space<vmem>>
    %dma_wait3A_625 = tpu.memref_squeeze %dma_wait3A_624 : memref<1x64x256xf32, #tpu.memory_space<vmem>> -> memref<64x256xf32, #tpu.memory_space<vmem>>
    tpu.wait_dma2 semaphore(%dma_wait3A_619 : memref<!tpu.dma_semaphore, #tpu.memory_space<semaphore_mem>>) src(%dma_wait3A_625 : memref<64x256xf32, #tpu.memory_space<vmem>>) dst(%dma_wait3A_621 : memref<64x256xf32, #tpu.memory_space<hbm>>)
    %dma_wait3A_626 = arith.constant 2 : i32
    %dma_wait3A_627 = arith.constant 2 : i32
    %dma_wait3A_628 = arith.constant 1 : i32
    %dma_wait3A_629 = arith.constant 0 : i32
    %dma_wait3A_630 = arith.constant 0 : i32
    %dma_wait3A_631 = tpu.memref_slice %arg4[%dma_wait3A_626, %dma_wait3A_629, %dma_wait3A_630] : memref<4x64x256xf32, #tpu.memory_space<vmem>> -> memref<1x64x256xf32, #tpu.memory_space<vmem>>
    %dma_wait3A_632 = tpu.memref_squeeze %dma_wait3A_631 : memref<1x64x256xf32, #tpu.memory_space<vmem>> -> memref<64x256xf32, #tpu.memory_space<vmem>>
    %dma_wait3A_633 = arith.constant 0 : i32
    %dma_wait3A_634 = tpu.memref_slice %arg3[%add3A_313, %dma_wait3A_633] : memref<32768x256xf32, #tpu.memory_space<hbm>> -> memref<64x256xf32, #tpu.memory_space<hbm>>
    %dma_wait3A_635 = tpu.memref_slice %arg6[%dma_wait3A_627, %dma_wait3A_628] : memref<4x4x!tpu.dma_semaphore, #tpu.memory_space<semaphore_mem>> -> memref<1x1x!tpu.dma_semaphore, #tpu.memory_space<semaphore_mem>>
    %dma_wait3A_636 = tpu.memref_squeeze %dma_wait3A_635 : memref<1x1x!tpu.dma_semaphore, #tpu.memory_space<semaphore_mem>> -> memref<!tpu.dma_semaphore, #tpu.memory_space<semaphore_mem>>
    %dma_wait3A_637 = arith.constant 0 : i32
    %dma_wait3A_638 = tpu.memref_slice %arg3[%add3A_313, %dma_wait3A_637] : memref<32768x256xf32, #tpu.memory_space<hbm>> -> memref<64x256xf32, #tpu.memory_space<hbm>>
    %dma_wait3A_639 = arith.constant 0 : i32
    %dma_wait3A_640 = arith.constant 0 : i32
    %dma_wait3A_641 = tpu.memref_slice %arg4[%dma_wait3A_626, %dma_wait3A_639, %dma_wait3A_640] : memref<4x64x256xf32, #tpu.memory_space<vmem>> -> memref<1x64x256xf32, #tpu.memory_space<vmem>>
    %dma_wait3A_642 = tpu.memref_squeeze %dma_wait3A_641 : memref<1x64x256xf32, #tpu.memory_space<vmem>> -> memref<64x256xf32, #tpu.memory_space<vmem>>
    tpu.wait_dma2 semaphore(%dma_wait3A_636 : memref<!tpu.dma_semaphore, #tpu.memory_space<semaphore_mem>>) src(%dma_wait3A_642 : memref<64x256xf32, #tpu.memory_space<vmem>>) dst(%dma_wait3A_638 : memref<64x256xf32, #tpu.memory_space<hbm>>)
    %dma_wait3A_643 = arith.constant 2 : i32
    %dma_wait3A_644 = arith.constant 2 : i32
    %dma_wait3A_645 = arith.constant 2 : i32
    %dma_wait3A_646 = arith.constant 0 : i32
    %dma_wait3A_647 = arith.constant 0 : i32
    %dma_wait3A_648 = tpu.memref_slice %arg4[%dma_wait3A_643, %dma_wait3A_646, %dma_wait3A_647] : memref<4x64x256xf32, #tpu.memory_space<vmem>> -> memref<1x64x256xf32, #tpu.memory_space<vmem>>
    %dma_wait3A_649 = tpu.memref_squeeze %dma_wait3A_648 : memref<1x64x256xf32, #tpu.memory_space<vmem>> -> memref<64x256xf32, #tpu.memory_space<vmem>>
    %dma_wait3A_650 = arith.constant 0 : i32
    %dma_wait3A_651 = tpu.memref_slice %arg3[%add3A_334, %dma_wait3A_650] : memref<32768x256xf32, #tpu.memory_space<hbm>> -> memref<64x256xf32, #tpu.memory_space<hbm>>
    %dma_wait3A_652 = tpu.memref_slice %arg6[%dma_wait3A_644, %dma_wait3A_645] : memref<4x4x!tpu.dma_semaphore, #tpu.memory_space<semaphore_mem>> -> memref<1x1x!tpu.dma_semaphore, #tpu.memory_space<semaphore_mem>>
    %dma_wait3A_653 = tpu.memref_squeeze %dma_wait3A_652 : memref<1x1x!tpu.dma_semaphore, #tpu.memory_space<semaphore_mem>> -> memref<!tpu.dma_semaphore, #tpu.memory_space<semaphore_mem>>
    %dma_wait3A_654 = arith.constant 0 : i32
    %dma_wait3A_655 = tpu.memref_slice %arg3[%add3A_334, %dma_wait3A_654] : memref<32768x256xf32, #tpu.memory_space<hbm>> -> memref<64x256xf32, #tpu.memory_space<hbm>>
    %dma_wait3A_656 = arith.constant 0 : i32
    %dma_wait3A_657 = arith.constant 0 : i32
    %dma_wait3A_658 = tpu.memref_slice %arg4[%dma_wait3A_643, %dma_wait3A_656, %dma_wait3A_657] : memref<4x64x256xf32, #tpu.memory_space<vmem>> -> memref<1x64x256xf32, #tpu.memory_space<vmem>>
    %dma_wait3A_659 = tpu.memref_squeeze %dma_wait3A_658 : memref<1x64x256xf32, #tpu.memory_space<vmem>> -> memref<64x256xf32, #tpu.memory_space<vmem>>
    tpu.wait_dma2 semaphore(%dma_wait3A_653 : memref<!tpu.dma_semaphore, #tpu.memory_space<semaphore_mem>>) src(%dma_wait3A_659 : memref<64x256xf32, #tpu.memory_space<vmem>>) dst(%dma_wait3A_655 : memref<64x256xf32, #tpu.memory_space<hbm>>)
    %dma_wait3A_660 = arith.constant 2 : i32
    %dma_wait3A_661 = arith.constant 2 : i32
    %dma_wait3A_662 = arith.constant 3 : i32
    %dma_wait3A_663 = arith.constant 0 : i32
    %dma_wait3A_664 = arith.constant 0 : i32
    %dma_wait3A_665 = tpu.memref_slice %arg4[%dma_wait3A_660, %dma_wait3A_663, %dma_wait3A_664] : memref<4x64x256xf32, #tpu.memory_space<vmem>> -> memref<1x64x256xf32, #tpu.memory_space<vmem>>
    %dma_wait3A_666 = tpu.memref_squeeze %dma_wait3A_665 : memref<1x64x256xf32, #tpu.memory_space<vmem>> -> memref<64x256xf32, #tpu.memory_space<vmem>>
    %dma_wait3A_667 = arith.constant 0 : i32
    %dma_wait3A_668 = tpu.memref_slice %arg3[%add3A_355, %dma_wait3A_667] : memref<32768x256xf32, #tpu.memory_space<hbm>> -> memref<64x256xf32, #tpu.memory_space<hbm>>
    %dma_wait3A_669 = tpu.memref_slice %arg6[%dma_wait3A_661, %dma_wait3A_662] : memref<4x4x!tpu.dma_semaphore, #tpu.memory_space<semaphore_mem>> -> memref<1x1x!tpu.dma_semaphore, #tpu.memory_space<semaphore_mem>>
    %dma_wait3A_670 = tpu.memref_squeeze %dma_wait3A_669 : memref<1x1x!tpu.dma_semaphore, #tpu.memory_space<semaphore_mem>> -> memref<!tpu.dma_semaphore, #tpu.memory_space<semaphore_mem>>
    %dma_wait3A_671 = arith.constant 0 : i32
    %dma_wait3A_672 = tpu.memref_slice %arg3[%add3A_355, %dma_wait3A_671] : memref<32768x256xf32, #tpu.memory_space<hbm>> -> memref<64x256xf32, #tpu.memory_space<hbm>>
    %dma_wait3A_673 = arith.constant 0 : i32
    %dma_wait3A_674 = arith.constant 0 : i32
    %dma_wait3A_675 = tpu.memref_slice %arg4[%dma_wait3A_660, %dma_wait3A_673, %dma_wait3A_674] : memref<4x64x256xf32, #tpu.memory_space<vmem>> -> memref<1x64x256xf32, #tpu.memory_space<vmem>>
    %dma_wait3A_676 = tpu.memref_squeeze %dma_wait3A_675 : memref<1x64x256xf32, #tpu.memory_space<vmem>> -> memref<64x256xf32, #tpu.memory_space<vmem>>
    tpu.wait_dma2 semaphore(%dma_wait3A_670 : memref<!tpu.dma_semaphore, #tpu.memory_space<semaphore_mem>>) src(%dma_wait3A_676 : memref<64x256xf32, #tpu.memory_space<vmem>>) dst(%dma_wait3A_672 : memref<64x256xf32, #tpu.memory_space<hbm>>)
    %dma_wait3A_677 = arith.constant 3 : i32
    %dma_wait3A_678 = arith.constant 3 : i32
    %dma_wait3A_679 = arith.constant 0 : i32
    %dma_wait3A_680 = arith.constant 0 : i32
    %dma_wait3A_681 = arith.constant 0 : i32
    %dma_wait3A_682 = tpu.memref_slice %arg4[%dma_wait3A_677, %dma_wait3A_680, %dma_wait3A_681] : memref<4x64x256xf32, #tpu.memory_space<vmem>> -> memref<1x64x256xf32, #tpu.memory_space<vmem>>
    %dma_wait3A_683 = tpu.memref_squeeze %dma_wait3A_682 : memref<1x64x256xf32, #tpu.memory_space<vmem>> -> memref<64x256xf32, #tpu.memory_space<vmem>>
    %dma_wait3A_684 = arith.constant 0 : i32
    %dma_wait3A_685 = tpu.memref_slice %arg3[%add3A_392, %dma_wait3A_684] : memref<32768x256xf32, #tpu.memory_space<hbm>> -> memref<64x256xf32, #tpu.memory_space<hbm>>
    %dma_wait3A_686 = tpu.memref_slice %arg6[%dma_wait3A_678, %dma_wait3A_679] : memref<4x4x!tpu.dma_semaphore, #tpu.memory_space<semaphore_mem>> -> memref<1x1x!tpu.dma_semaphore, #tpu.memory_space<semaphore_mem>>
    %dma_wait3A_687 = tpu.memref_squeeze %dma_wait3A_686 : memref<1x1x!tpu.dma_semaphore, #tpu.memory_space<semaphore_mem>> -> memref<!tpu.dma_semaphore, #tpu.memory_space<semaphore_mem>>
    %dma_wait3A_688 = arith.constant 0 : i32
    %dma_wait3A_689 = tpu.memref_slice %arg3[%add3A_392, %dma_wait3A_688] : memref<32768x256xf32, #tpu.memory_space<hbm>> -> memref<64x256xf32, #tpu.memory_space<hbm>>
    %dma_wait3A_690 = arith.constant 0 : i32
    %dma_wait3A_691 = arith.constant 0 : i32
    %dma_wait3A_692 = tpu.memref_slice %arg4[%dma_wait3A_677, %dma_wait3A_690, %dma_wait3A_691] : memref<4x64x256xf32, #tpu.memory_space<vmem>> -> memref<1x64x256xf32, #tpu.memory_space<vmem>>
    %dma_wait3A_693 = tpu.memref_squeeze %dma_wait3A_692 : memref<1x64x256xf32, #tpu.memory_space<vmem>> -> memref<64x256xf32, #tpu.memory_space<vmem>>
    tpu.wait_dma2 semaphore(%dma_wait3A_687 : memref<!tpu.dma_semaphore, #tpu.memory_space<semaphore_mem>>) src(%dma_wait3A_693 : memref<64x256xf32, #tpu.memory_space<vmem>>) dst(%dma_wait3A_689 : memref<64x256xf32, #tpu.memory_space<hbm>>)
    %dma_wait3A_694 = arith.constant 3 : i32
    %dma_wait3A_695 = arith.constant 3 : i32
    %dma_wait3A_696 = arith.constant 1 : i32
    %dma_wait3A_697 = arith.constant 0 : i32
    %dma_wait3A_698 = arith.constant 0 : i32
    %dma_wait3A_699 = tpu.memref_slice %arg4[%dma_wait3A_694, %dma_wait3A_697, %dma_wait3A_698] : memref<4x64x256xf32, #tpu.memory_space<vmem>> -> memref<1x64x256xf32, #tpu.memory_space<vmem>>
    %dma_wait3A_700 = tpu.memref_squeeze %dma_wait3A_699 : memref<1x64x256xf32, #tpu.memory_space<vmem>> -> memref<64x256xf32, #tpu.memory_space<vmem>>
    %dma_wait3A_701 = arith.constant 0 : i32
    %dma_wait3A_702 = tpu.memref_slice %arg3[%add3A_413, %dma_wait3A_701] : memref<32768x256xf32, #tpu.memory_space<hbm>> -> memref<64x256xf32, #tpu.memory_space<hbm>>
    %dma_wait3A_703 = tpu.memref_slice %arg6[%dma_wait3A_695, %dma_wait3A_696] : memref<4x4x!tpu.dma_semaphore, #tpu.memory_space<semaphore_mem>> -> memref<1x1x!tpu.dma_semaphore, #tpu.memory_space<semaphore_mem>>
    %dma_wait3A_704 = tpu.memref_squeeze %dma_wait3A_703 : memref<1x1x!tpu.dma_semaphore, #tpu.memory_space<semaphore_mem>> -> memref<!tpu.dma_semaphore, #tpu.memory_space<semaphore_mem>>
    %dma_wait3A_705 = arith.constant 0 : i32
    %dma_wait3A_706 = tpu.memref_slice %arg3[%add3A_413, %dma_wait3A_705] : memref<32768x256xf32, #tpu.memory_space<hbm>> -> memref<64x256xf32, #tpu.memory_space<hbm>>
    %dma_wait3A_707 = arith.constant 0 : i32
    %dma_wait3A_708 = arith.constant 0 : i32
    %dma_wait3A_709 = tpu.memref_slice %arg4[%dma_wait3A_694, %dma_wait3A_707, %dma_wait3A_708] : memref<4x64x256xf32, #tpu.memory_space<vmem>> -> memref<1x64x256xf32, #tpu.memory_space<vmem>>
    %dma_wait3A_710 = tpu.memref_squeeze %dma_wait3A_709 : memref<1x64x256xf32, #tpu.memory_space<vmem>> -> memref<64x256xf32, #tpu.memory_space<vmem>>
    tpu.wait_dma2 semaphore(%dma_wait3A_704 : memref<!tpu.dma_semaphore, #tpu.memory_space<semaphore_mem>>) src(%dma_wait3A_710 : memref<64x256xf32, #tpu.memory_space<vmem>>) dst(%dma_wait3A_706 : memref<64x256xf32, #tpu.memory_space<hbm>>)
    %dma_wait3A_711 = arith.constant 3 : i32
    %dma_wait3A_712 = arith.constant 3 : i32
    %dma_wait3A_713 = arith.constant 2 : i32
    %dma_wait3A_714 = arith.constant 0 : i32
    %dma_wait3A_715 = arith.constant 0 : i32
    %dma_wait3A_716 = tpu.memref_slice %arg4[%dma_wait3A_711, %dma_wait3A_714, %dma_wait3A_715] : memref<4x64x256xf32, #tpu.memory_space<vmem>> -> memref<1x64x256xf32, #tpu.memory_space<vmem>>
    %dma_wait3A_717 = tpu.memref_squeeze %dma_wait3A_716 : memref<1x64x256xf32, #tpu.memory_space<vmem>> -> memref<64x256xf32, #tpu.memory_space<vmem>>
    %dma_wait3A_718 = arith.constant 0 : i32
    %dma_wait3A_719 = tpu.memref_slice %arg3[%add3A_434, %dma_wait3A_718] : memref<32768x256xf32, #tpu.memory_space<hbm>> -> memref<64x256xf32, #tpu.memory_space<hbm>>
    %dma_wait3A_720 = tpu.memref_slice %arg6[%dma_wait3A_712, %dma_wait3A_713] : memref<4x4x!tpu.dma_semaphore, #tpu.memory_space<semaphore_mem>> -> memref<1x1x!tpu.dma_semaphore, #tpu.memory_space<semaphore_mem>>
    %dma_wait3A_721 = tpu.memref_squeeze %dma_wait3A_720 : memref<1x1x!tpu.dma_semaphore, #tpu.memory_space<semaphore_mem>> -> memref<!tpu.dma_semaphore, #tpu.memory_space<semaphore_mem>>
    %dma_wait3A_722 = arith.constant 0 : i32
    %dma_wait3A_723 = tpu.memref_slice %arg3[%add3A_434, %dma_wait3A_722] : memref<32768x256xf32, #tpu.memory_space<hbm>> -> memref<64x256xf32, #tpu.memory_space<hbm>>
    %dma_wait3A_724 = arith.constant 0 : i32
    %dma_wait3A_725 = arith.constant 0 : i32
    %dma_wait3A_726 = tpu.memref_slice %arg4[%dma_wait3A_711, %dma_wait3A_724, %dma_wait3A_725] : memref<4x64x256xf32, #tpu.memory_space<vmem>> -> memref<1x64x256xf32, #tpu.memory_space<vmem>>
    %dma_wait3A_727 = tpu.memref_squeeze %dma_wait3A_726 : memref<1x64x256xf32, #tpu.memory_space<vmem>> -> memref<64x256xf32, #tpu.memory_space<vmem>>
    tpu.wait_dma2 semaphore(%dma_wait3A_721 : memref<!tpu.dma_semaphore, #tpu.memory_space<semaphore_mem>>) src(%dma_wait3A_727 : memref<64x256xf32, #tpu.memory_space<vmem>>) dst(%dma_wait3A_723 : memref<64x256xf32, #tpu.memory_space<hbm>>)
    %dma_wait3A_728 = arith.constant 3 : i32
    %dma_wait3A_729 = arith.constant 3 : i32
    %dma_wait3A_730 = arith.constant 3 : i32
    %dma_wait3A_731 = arith.constant 0 : i32
    %dma_wait3A_732 = arith.constant 0 : i32
    %dma_wait3A_733 = tpu.memref_slice %arg4[%dma_wait3A_728, %dma_wait3A_731, %dma_wait3A_732] : memref<4x64x256xf32, #tpu.memory_space<vmem>> -> memref<1x64x256xf32, #tpu.memory_space<vmem>>
    %dma_wait3A_734 = tpu.memref_squeeze %dma_wait3A_733 : memref<1x64x256xf32, #tpu.memory_space<vmem>> -> memref<64x256xf32, #tpu.memory_space<vmem>>
    %dma_wait3A_735 = arith.constant 0 : i32
    %dma_wait3A_736 = tpu.memref_slice %arg3[%add3A_455, %dma_wait3A_735] : memref<32768x256xf32, #tpu.memory_space<hbm>> -> memref<64x256xf32, #tpu.memory_space<hbm>>
    %dma_wait3A_737 = tpu.memref_slice %arg6[%dma_wait3A_729, %dma_wait3A_730] : memref<4x4x!tpu.dma_semaphore, #tpu.memory_space<semaphore_mem>> -> memref<1x1x!tpu.dma_semaphore, #tpu.memory_space<semaphore_mem>>
    %dma_wait3A_738 = tpu.memref_squeeze %dma_wait3A_737 : memref<1x1x!tpu.dma_semaphore, #tpu.memory_space<semaphore_mem>> -> memref<!tpu.dma_semaphore, #tpu.memory_space<semaphore_mem>>
    %dma_wait3A_739 = arith.constant 0 : i32
    %dma_wait3A_740 = tpu.memref_slice %arg3[%add3A_455, %dma_wait3A_739] : memref<32768x256xf32, #tpu.memory_space<hbm>> -> memref<64x256xf32, #tpu.memory_space<hbm>>
    %dma_wait3A_741 = arith.constant 0 : i32
    %dma_wait3A_742 = arith.constant 0 : i32
    %dma_wait3A_743 = tpu.memref_slice %arg4[%dma_wait3A_728, %dma_wait3A_741, %dma_wait3A_742] : memref<4x64x256xf32, #tpu.memory_space<vmem>> -> memref<1x64x256xf32, #tpu.memory_space<vmem>>
    %dma_wait3A_744 = tpu.memref_squeeze %dma_wait3A_743 : memref<1x64x256xf32, #tpu.memory_space<vmem>> -> memref<64x256xf32, #tpu.memory_space<vmem>>
    tpu.wait_dma2 semaphore(%dma_wait3A_738 : memref<!tpu.dma_semaphore, #tpu.memory_space<semaphore_mem>>) src(%dma_wait3A_744 : memref<64x256xf32, #tpu.memory_space<vmem>>) dst(%dma_wait3A_740 : memref<64x256xf32, #tpu.memory_space<hbm>>)
    return
  }
}

</mosaic_0001>

<sc_bundles>
// kernel: kernel.3.cloned.1.call-start
scs
__scs_entry_jumppad:
0x0: {  	(pc) =	sbr.rel $0x88, $3  }
0x1: {  	(tag) =	ssettag $0x0;
	lr =	simm.s32 $0x1  }
0x2: {  	[smem:$0x3FA0] =	sst lr;
	_ =	strace $0xD0000000  }
0x3: {  	_ = 	snop  }
0x4: {  	_ = 	snop  }
0x5: {  	_ = 	snop  }
0x6: {  	_ = 	snop  }
0x7: {  	_ = 	snop  }
__scs_overlays_trampoline_lowered:
0x8: {  	[smem:$0x3FAF] =	sst s0  }
0x9: {  	[smem:$0x3FB0] =	sst s1  }
0xa: {  	[smem:$0x3FB1] =	sst s2  }
0xb: {  	[smem:$0x3FB2] =	sst s3  }
0xc: {  	[smem:$0x3FB3] =	sst s4  }
0xd: {  	[smem:$0x3FB4] =	sst s5  }
0xe: {  	[smem:$0x3FB5] =	sst s6  }
0xf: {  	[smem:$0x3FB6] =	sst s7  }
0x10: {  	[smem:$0x3FB7] =	sst s8  }
0x11: {  	[smem:$0x3FB8] =	sst s9;
	s0 =	simm.s32 @!p0 $0x0  }
0x12: {  	s1 =	sld [smem:$0x3F9E];
	s0 =	simm.s32 @p0 $0x1  }
0x13: {  	[smem:$0x3FB9] =	sst s0;
	s0 =	simm.s32 @!p1 $0x0  }
0x14: {  	s2 =	sld [smem:$0x3F9D];
	s0 =	simm.s32 @p1 $0x1  }
0x15: {  	[smem:$0x3FBA] =	sst s0;
	s0 =	simm.s32 @!p2 $0x0  }
0x16: {  	s3 =	sld [smem:$0x3FDB];
	s0 =	simm.s32 @p2 $0x1  }
0x17: {  	s4 =	simm.s32 $0x1BF5;
	[smem:$0x3FBC] =	sst s0  }
0x18: {  	s0 =	sld [smem:$0x3F9F];
	_ =	swait.ge [sflag:s4], $0x0  }
0x19: {  	s7 =	sld [smem:$0x3FA0]  }
0x1a: {  	s8 =	sadd.s32 $0xFFFFE003, lr  }
0x1b: {  	s9 =	sadd.s32 $0xFFFFFEF7, lr;
	s5 =	simm.s32 $0xFFFFFFFF;
	p2 =	slt.u32 s8, $0xFFFFF086  }
0x1c: {  	p1 =	slt.u32 s9, $0xF7A;
	s5 =	simm.s32 @!p2 $0x0  }
0x1d: {  	s5 =	simm.s32 @p1 $0x1;
	p0 =	seq.s32 s7, s2  }
0x1e: {  	s7 =	smul.u32 @!p0 $0xF7A, s2;
	p2 =	seq.s32 @!p0 s5, $0x0  }
0x1f: {  	s9 =	smul.u32 $0xF7A, s1;
	s8 =	simm.s32 @!p0 $0x1BF5;
	p2 =	por !p2, p0  }
0x20: {  	[sflag:s8] =	ssyncset.s32 @!p0 $0xFFFFF086;
	s6 =	sadd.s32 @!p0 s3, s7;
	s7 =	simm.s32 @!p0 $0x108  }
0x21: {  	s3 =	sadd.s32 s3, s9;
	s6 =	sadd.s32 @!p0 $0x88, s6;
	s7 =	simm.s32 @p2 $0x1082  }
0x22: {  	[simem:s7], [sflag:s8] =	dma.local @!p0 [hbm:s6], $0xF7A  }
0x23: {  	s9 =	sor.u32 $0xD0000000, s2;
	s6 =	simm.s32 $0x108;
	_ =	swait.ge @!p0 [sflag:s8], $0x0  }
0x24: {  	s3 =	sadd.s32 $0x88, s3;
	s6 =	simm.s32 @!p1 $0x1082;
	[sflag:s4] =	ssyncset.s32 $0xFFFFF086  }
0x25: {  	[simem:s6], [sflag:s4] =	dma.local [hbm:s3], $0xF7A  }
0x26: {  	[smem:$0x3FA0] =	sst s1;
	(tag) =	ssettag s2;
	_ =	strace s9  }
0x27: {  	s1 =	sld [smem:$0x3FB0]  }
0x28: {  	s2 =	sld [smem:$0x3FB1]  }
0x29: {  	s4 =	sld [smem:$0x3FB3]  }
0x2a: {  	p0 =	seq.s32 s5, $0x0;
	s5 =	sld [smem:$0x3FB4]  }
0x2b: {  	s6 =	sld [smem:$0x3FB5]  }
0x2c: {  	s7 =	sld [smem:$0x3FB6]  }
0x2d: {  	s3 =	simm.s32 $0x108;
	s8 =	sld [smem:$0x3FB7]  }
0x2e: {  	s3 =	simm.s32 @!p0 $0x1082;
	s9 =	sld [smem:$0x3FB8]  }
0x2f: {  	lr =	sadd.s32 s0, s3;
	s0 =	sld [smem:$0x3FAF]  }
0x30: {  	s3 =	sld [smem:$0x3FB2]  }
0x31: {  	[smem:$0x3FBB] =	sst s10  }
0x32: {  	s10 =	sld [smem:$0x3FB9];
	_ =	sdelay $0x3  }
0x33: {  	p0 =	seq.s32 s10, $0x1;
	s10 =	sld [smem:$0x3FBB];
	_ =	sdelay $0x3  }
0x34: {  	[smem:$0x3FBB] =	sst s10  }
0x35: {  	s10 =	sld [smem:$0x3FBA];
	_ =	sdelay $0x3  }
0x36: {  	p1 =	seq.s32 s10, $0x1;
	s10 =	sld [smem:$0x3FBB];
	_ =	sdelay $0x3  }
0x37: {  	[smem:$0x3FBB] =	sst s10  }
0x38: {  	s10 =	sld [smem:$0x3FBC]  }
0x39: {  	_ = 	snop;
	(pc) =	sbr.ind lr, $3  }
0x3a: {  	_ = 	snop  }
0x3b: {  	_ = 	snop  }
0x3c: {  	p2 =	seq.s32 s10, $0x1;
	s10 =	sld [smem:$0x3FBB]  }
0x3d: {  	_ =	shalt  }
0x3e: {  	_ =	shalt  }
0x3f: {  	_ =	shalt  }
0x40: {  	_ =	shalt  }
0x41: {  	_ =	shalt  }
0x42: {  	_ =	shalt  }
0x43: {  	_ =	shalt  }
0x44: {  	_ =	shalt  }
0x45: {  	_ =	shalt  }
0x46: {  	_ =	shalt  }
0x47: {  	_ =	shalt  }
0x48: {  	_ =	shalt  }
0x49: {  	_ =	shalt  }
0x4a: {  	_ =	shalt  }
0x4b: {  	_ =	shalt  }
0x4c: {  	_ =	shalt  }
0x4d: {  	_ =	shalt  }
0x4e: {  	_ =	shalt  }
0x4f: {  	_ =	shalt  }
0x50: {  	_ =	shalt  }
0x51: {  	_ =	shalt  }
0x52: {  	_ =	shalt  }
0x53: {  	_ =	shalt  }
0x54: {  	_ =	shalt  }
0x55: {  	_ =	shalt  }
0x56: {  	_ =	shalt  }
0x57: {  	_ =	shalt  }
0x58: {  	_ =	shalt  }
0x59: {  	_ =	shalt  }
0x5a: {  	_ =	shalt  }
0x5b: {  	_ =	shalt  }
0x5c: {  	_ =	shalt  }
0x5d: {  	_ =	shalt  }
0x5e: {  	_ =	shalt  }
0x5f: {  	_ =	shalt  }
0x60: {  	_ =	shalt  }
0x61: {  	_ =	shalt  }
0x62: {  	_ =	shalt  }
0x63: {  	_ =	shalt  }
0x64: {  	_ =	shalt  }
0x65: {  	_ =	shalt  }
0x66: {  	_ =	shalt  }
0x67: {  	_ =	shalt  }
0x68: {  	_ =	shalt  }
0x69: {  	_ =	shalt  }
0x6a: {  	_ =	shalt  }
0x6b: {  	_ =	shalt  }
0x6c: {  	_ =	shalt  }
0x6d: {  	_ =	shalt  }
0x6e: {  	_ =	shalt  }
0x6f: {  	_ =	shalt  }
0x70: {  	_ =	shalt  }
0x71: {  	_ =	shalt  }
0x72: {  	_ =	shalt  }
0x73: {  	_ =	shalt  }
0x74: {  	_ =	shalt  }
0x75: {  	_ =	shalt  }
0x76: {  	_ =	shalt  }
0x77: {  	_ =	shalt  }
0x78: {  	_ =	shalt  }
0x79: {  	_ =	shalt  }
0x7a: {  	_ =	shalt  }
0x7b: {  	_ =	shalt  }
0x7c: {  	_ =	shalt  }
0x7d: {  	_ =	shalt  }
0x7e: {  	_ =	shalt  }
0x7f: {  	_ =	shalt  }
0x80: {  	_ =	shalt  }
0x81: {  	_ =	shalt  }
0x82: {  	_ =	shalt  }
0x83: {  	_ =	shalt  }
0x84: {  	_ =	shalt  }
0x85: {  	_ =	shalt  }
0x86: {  	_ =	shalt  }
0x87: {  	_ =	shalt  }
.Lfunc_end0:
.L_simem_size_0:
called_computation_lowered:
.L_overlay_start_0:
0x88: {  	s2 =	sld [smem:$0x3FD9]  }
0x89: {  	s3 =	sld [smem:$0x3FFE];
	_ =	sdelay $0x1  }
0x8a: {  	s1 =	srdreg.scid  }
0x8b: {  	s0 =	sand.u32 $0x1, s1  }
0x8c: {  	s18 =	sshll.u32 s0, $0xA;
	s2 =	sadd.s32 s3, s2  }
0x8d: {  	s2 =	sadd.s32 s2, s18  }
0x8e: {  	[smem:$0x3FC7] =	sst s2  }
0x8f: {  	_ = 	snop  }
0x90: {  	s2 =	sld [smem:$0x3FC9]  }
0x91: {  	s19 =	sld [smem:$0x3FD0];
	(tm) =	ssettm $0x1  }
0x92: {  	s4 =	sld [smem:$0x3FFB];
	_ =	sdelay $0x3  }
0x93: {  	_ =	strace s4  }
0x94: {  	s4 =	sld [smem:$0x3FFC];
	_ =	sdelay $0x3  }
0x95: {  	_ =	strace s4  }
0x96: {  	s4 =	sld [smem:$0x3FFD];
	_ =	sdelay $0x3  }
0x97: {  	_ =	strace s4  }
0x98: {  	_ =	strace $0x8FFFFFFF  }
0x99: {  	s20 =	sld [smem:$0x3FDB];
	_ =	sdelay $0x1  }
0x9a: {  	s5 =	simm.s32 $_scs_section_size  }
0x9b: {  	s6 =	simm.s32 $_size__tile_overlayer_lowered;
	s7 =	simm.s32 $_tile_overlayer_lowered  }
0x9c: {  	s23 =	simm.s32 $0x1BFF;
	s22 =	sshll.u32 s7, $0x1;
	s4 =	sadd.s32 s5, s20  }
0x9d: {  	s8 =	simm.s32 $0x0;
	s21 =	sshll.u32 s6, $0x1;
	s6 =	sadd.s32 s22, s4  }
0x9e: {  	[timem:s8], [sflag:s23] =	dma.local [hbm:s6], s21  }
0x9f: {  	_ =	swait.ge [sflag:s23], s21  }
0xa0: {  	s5 =	ssub.s32 $0x0, s21;
	[sflag:s23] =	ssyncset.done $0x0  }
0xa1: {  	[sflag:s23] =	ssyncadd.s32 s5;
	_ =	sdelay $0x1  }
0xa2: {  	s24 =	simm.s32 $0x1B8B  }
0xa3: {  	_ =	swait.ge [sflag:s24], $0x1  }
0xa4: {  	[sflag:s24] =	ssyncset.done $0x0  }
0xa5: {  	s25 =	simm.s32 $0x1B8E;
	[sflag:s24] =	ssyncadd.s32 $0xFFFFFFFF  }
0xa6: {  	s26 =	simm.s32 $execute0_lowered;
	[smem:$0x3FD2] =	sst s25  }
0xa7: {  	s5 =	sshll.u32 s26, $0x1;
	_ =	strace $0x80000046;
	[dreg:$0x1] =	wrdreg $0xFFFFFFFF  }
0xa8: {  	s28 =	simm.s32 $_size_execute0_lowered;
	s4 =	sadd.s32 s4, s5;
	[dreg:$0x0] =	wrdreg $0x0  }
0xa9: {  	s5 =	sshll.u32 s28, $0x1;
	[dreg:$0x2] =	wrdreg s4  }
0xaa: {  	[dreg:$0x3] =	wrdreg s5  }
0xab: {  	[dreg:$0x4] =	wrdreg $0xC0  }
0xac: {  	_ =	task [dreg:s8], $0x5FFFF  }
0xad: {  	[dreg:$0x1] =	wrdreg $0xFFFFFFFF  }
0xae: {  	[dreg:$0x0] =	wrdreg $0x60  }
0xaf: {  	[dreg:$0x2] =	wrdreg s2  }
0xb0: {  	[dreg:$0x3] =	wrdreg s19  }
0xb1: {  	[dreg:$0x4] =	wrdreg $0x9  }
0xb2: {  	_ =	task.clear_ibuf [dreg:s8], $0x5FFFF;
	_ =	strace $0x90000046  }
0xb3: {  	s29 =	simm.s32 $0x9;
	_ =	strace $0x80000048  }
0xb4: {  	_ =	swait.ge [sflag:s29], $0x1  }
0xb5: {  	[sflag:s29] =	ssyncadd.s32 $0xFFFFFFFF  }
0xb6: {  	_ =	strace $0x90000048  }
0xb7: {  	_ =	sfence  }
0xb8: {  	s30 =	sld [smem:$0x0];
	_ =	sdelay $0x2  }
0xb9: {  	s31 =	sshll.u32 s1, $0xD;
	s1 =	sshrl.u32 s1, $0x2  }
0xba: {  	s3 =	sand.u32 $0x4000, s31;
	s1 =	sadd.s32 s1, s30  }
0xbb: {  	s0 =	sor.u32 s3, s0;
	s1 =	sshll.u32 s1, $0x11  }
0xbc: {  	s0 =	sor.u32 s1, s0  }
0xbd: {  	s0 =	sadd.s32 $0x8F2B, s0  }
0xbe: {  	[sflag:s0] =	ssyncadd.remote.s32 $0x1  }
0xbf: {  	_ =	sfence.sel $0xFFFF  }
0xc0: {  	[dreg:$0x0] =	wrdreg $0xFFFFFFFF;
	(pc) =	sbr.abs _section_cstart, $3  }
0xc1: {  	[dreg:$0x1] =	wrdreg $0xFFFFFFFF  }
0xc2: {  	_ =	task.clear_ibuf [dreg:s8], $0x2FFFF;
	_ =	strace $0x9FFFFFFF  }
0xc3: {  	(tm) =	ssettm $0x7FFFFFFF  }
tec
execute0_lowered:
.L_overlay_start_1:
0x0: {  	(tag) =	ssettag $0x1  }
0x1: {  	s0 =	rddreg [dreg:$0x0]  }
0x2: {  	s1 =	rddreg [dreg:$0x1]  }
0x3: {  	s2 =	srdreg.scid;
	s15 =	rddreg [dreg:$0x2]  }
0x4: {  	s4 =	stileid.u32;
	s28 =	simm.s32 $0x4000;
	s3 =	sand.u32 $0x1, s2  }
0x5: {  	s2 =	simm.s32 $0x0;
	s4 =	sshll.u32 s4, $0xE;
	s5 =	sshll.u32 s3, $0xD  }
0x6: {  	s31 =	simm.s32 $0x1;
	[smem:$0x7FF] =	sst s2;
	s4 =	sor.u32 s5, s4  }
0x7: {  	_ =	strace $0x80000047;
	s5 =	sadd.s32 s0, s4;
	s6 =	sor.u32 $0x800, s4  }
0x8: {  	s7 =	sor.u32 $0x1000, s4;
	[dreg:$0x3] =	wrdreg s5;
	s12 =	sadd.s32 s0, s6  }
0x9: {  	s8 =	sor.u32 $0x1800, s4;
	s13 =	sadd.s32 s0, s7;
	[dreg:$0x4] =	wrdreg s12  }
0xa: {  	s14 =	sadd.s32 s1, s4;
	s0 =	sadd.s32 s0, s8;
	[dreg:$0x5] =	wrdreg s13  }
0xb: {  	s30 =	simm.s32 $0x2;
	s17 =	sadd.s32 $0x40000, s14;
	[dreg:$0x6] =	wrdreg s0  }
0xc: {  	s29 =	simm.s32 $0x3;
	s18 =	sadd.s32 $0x80000, s14;
	[dreg:$0x7] =	wrdreg s17  }
0xd: {  	s11 =	simm.s32 $0xC;
	s19 =	sadd.s32 $0xC0000, s14;
	[dreg:$0x8] =	wrdreg s18  }
0xe: {  	s10 =	simm.s32 $0xD;
	s20 =	sadd.s32 s1, s6;
	[dreg:$0x9] =	wrdreg s19  }
0xf: {  	p0 =	por $0x0, $0x0;
	s21 =	sadd.s32 $0x40800, s14;
	[dreg:$0xa] =	wrdreg s20  }
0x10: {  	s3 =	ssub.s32 $0x2, s3;
	s22 =	sadd.s32 $0x80800, s14;
	[dreg:$0xb] =	wrdreg s21  }
0x11: {  	s26 =	sshrl.u32 s3, $0x1;
	s23 =	sadd.s32 $0xC0800, s14;
	[dreg:$0xc] =	wrdreg s22  }
0x12: {  	s3 =	ssub.s32 s3, s26;
	s24 =	sadd.s32 s1, s7;
	[dreg:$0xd] =	wrdreg s23  }
0x13: {  	s26 =	simm.s32 $0x4;
	s25 =	sadd.s32 $0x41000, s14;
	[dreg:$0xe] =	wrdreg s24  }
0x14: {  	s4 =	simm.s32 $0x13;
	s6 =	sadd.s32 $0x81000, s14;
	[dreg:$0xf] =	wrdreg s25  }
0x15: {  	s7 =	sadd.s32 $0xC1000, s14;
	s8 =	sadd.s32 s1, s8;
	[dreg:$0x10] =	wrdreg s6  }
0x16: {  	s16 =	smov.u32 s14;
	s9 =	smax.u32 s3, $0x1;
	[dreg:$0x11] =	wrdreg s7  }
0x17: {  	s5 =	simm.s32 $0x12;
	s3 =	simm.s32 $0x14;
	[dreg:$0x12] =	wrdreg s8  }
0x18: {  	s17 =	sadd.s32 $0x41800, s14;
	s18 =	sadd.s32 $0x81800, s14;
	s21 =	sadd.s32 $0xC1800, s14  }
0x19: {  	s25 =	simm.s32 $0x8000;
	s22 =	simm.s32 $0xC000;
	p1 =	sne.s32 s9, $0x1  }
.Ltmp0:
0x1a: {  	s24 =	simm.s32 $0x5;
	s23 =	simm.s32 $0x6;
	(pc) =	sbr.rel @!p1 .LBB2_1-.Ltmp0, $4  }
0x1b: {  	s20 =	simm.s32 $0x7;
	s19 =	simm.s32 $0x8;
	s14 =	simm.s32 $0x9  }
0x1c: {  	s13 =	simm.s32 $0xA;
	s12 =	simm.s32 $0xB;
	s8 =	simm.s32 $0xE  }
0x1d: {  	s0 =	sadd.s32 $0xFFFFFFFF, s9;
	s9 =	simm.s32 $0xF;
	s1 =	rddreg [dreg:$0x3]  }
0x1e: {  	s7 =	simm.s32 $0x10;
	s6 =	simm.s32 $0x11;
	[dreg:$0x13] =	wrdreg s16  }
0x1f: {  	[tilespmem:s2], [sflag:$0x1] =	stream.linear.gather [hbm4b:s1+s2], $0x4000, $0x38;
	[tilespmem:$0x10000] =	vst v63  }
0x20: {  	s15 =	smov.u32 s0;
	s0 =	rddreg [dreg:$0x4]  }
0x21: {  	[tilespmem:s28], [sflag:$0x2] =	stream.linear.gather [hbm4b:s0+s2], $0x4000, $0x38;
	[tilespmem:$0x10000] =	vst v63  }
0x22: {  	s1 =	rddreg [dreg:$0x5]  }
0x23: {  	[tilespmem:s25], [sflag:$0x3] =	stream.linear.gather [hbm4b:s1+s2], $0x4000, $0x38;
	[tilespmem:$0x10000] =	vst v63  }
0x24: {  	s0 =	rddreg [dreg:$0x6]  }
0x25: {  	[tilespmem:s22], [sflag:$0x4] =	stream.linear.gather [hbm4b:s0+s2], $0x4000, $0x38;
	[tilespmem:$0x10000] =	vst v63  }
0x26: {  	_ =	swait.ge [sflag:s31], $0x4000  }
0x27: {  	[sflag:s31] =	ssyncset.done $0x0  }
0x28: {  	[sflag:s31] =	ssyncadd.s32 $0xFFFFC000  }
0x29: {  	[hbm4b:s16+s2] =	stream.linear.scatter [tilespmem:s2], [sflag:$0x5], $0x4000, $0x38;
	[tilespmem:$0x10000] =	vst v63  }
0x2a: {  	s0 =	rddreg [dreg:$0x7]  }
0x2b: {  	[hbm4b:s0+s2] =	stream.linear.scatter [tilespmem:s2], [sflag:$0x6], $0x4000, $0x38;
	[tilespmem:$0x10000] =	vst v63  }
0x2c: {  	s1 =	rddreg [dreg:$0x8]  }
0x2d: {  	[hbm4b:s1+s2] =	stream.linear.scatter [tilespmem:s2], [sflag:$0x7], $0x4000, $0x38;
	[tilespmem:$0x10000] =	vst v63  }
0x2e: {  	s0 =	rddreg [dreg:$0x9]  }
0x2f: {  	[hbm4b:s0+s2] =	stream.linear.scatter [tilespmem:s2], [sflag:$0x8], $0x4000, $0x38;
	[tilespmem:$0x10000] =	vst v63  }
0x30: {  	_ =	swait.ge [sflag:s30], $0x4000  }
0x31: {  	[sflag:s30] =	ssyncset.done $0x0  }
0x32: {  	s0 =	rddreg [dreg:$0xa];
	[sflag:s30] =	ssyncadd.s32 $0xFFFFC000  }
0x33: {  	[hbm4b:s0+s2] =	stream.linear.scatter [tilespmem:s28], [sflag:$0x9], $0x4000, $0x38;
	[tilespmem:$0x10000] =	vst v63  }
0x34: {  	s1 =	rddreg [dreg:$0xb]  }
0x35: {  	[hbm4b:s1+s2] =	stream.linear.scatter [tilespmem:s28], [sflag:$0xA], $0x4000, $0x38;
	[tilespmem:$0x10000] =	vst v63  }
0x36: {  	s0 =	rddreg [dreg:$0xc]  }
0x37: {  	[hbm4b:s0+s2] =	stream.linear.scatter [tilespmem:s28], [sflag:$0xB], $0x4000, $0x38;
	[tilespmem:$0x10000] =	vst v63  }
0x38: {  	s1 =	rddreg [dreg:$0xd]  }
0x39: {  	[hbm4b:s1+s2] =	stream.linear.scatter [tilespmem:s28], [sflag:$0xC], $0x4000, $0x38;
	[tilespmem:$0x10000] =	vst v63  }
0x3a: {  	_ =	swait.ge [sflag:s29], $0x4000  }
0x3b: {  	[sflag:s29] =	ssyncset.done $0x0  }
0x3c: {  	s0 =	rddreg [dreg:$0xe];
	[sflag:s29] =	ssyncadd.s32 $0xFFFFC000  }
0x3d: {  	[hbm4b:s0+s2] =	stream.linear.scatter [tilespmem:s25], [sflag:$0xD], $0x4000, $0x38;
	[tilespmem:$0x10000] =	vst v63  }
0x3e: {  	s1 =	rddreg [dreg:$0xf]  }
0x3f: {  	[hbm4b:s1+s2] =	stream.linear.scatter [tilespmem:s25], [sflag:$0xE], $0x4000, $0x38;
	[tilespmem:$0x10000] =	vst v63  }
0x40: {  	s0 =	rddreg [dreg:$0x10]  }
0x41: {  	[hbm4b:s0+s2] =	stream.linear.scatter [tilespmem:s25], [sflag:$0xF], $0x4000, $0x38;
	[tilespmem:$0x10000] =	vst v63  }
0x42: {  	s1 =	rddreg [dreg:$0x11]  }
0x43: {  	[hbm4b:s1+s2] =	stream.linear.scatter [tilespmem:s25], [sflag:$0x10], $0x4000, $0x38;
	[tilespmem:$0x10000] =	vst v63  }
0x44: {  	_ =	swait.ge [sflag:s26], $0x4000  }
0x45: {  	[sflag:s26] =	ssyncset.done $0x0  }
0x46: {  	s1 =	rddreg [dreg:$0x12];
	[sflag:s26] =	ssyncadd.s32 $0xFFFFC000  }
0x47: {  	[hbm4b:s1+s2] =	stream.linear.scatter [tilespmem:s22], [sflag:$0x11], $0x4000, $0x38;
	[tilespmem:$0x10000] =	vst v63  }
0x48: {  	_ = 	snop  }
0x49: {  	[hbm4b:s17+s2] =	stream.linear.scatter [tilespmem:s22], [sflag:$0x12], $0x4000, $0x38;
	[tilespmem:$0x10000] =	vst v63  }
0x4a: {  	_ = 	snop  }
0x4b: {  	[hbm4b:s18+s2] =	stream.linear.scatter [tilespmem:s22], [sflag:$0x13], $0x4000, $0x38;
	[tilespmem:$0x10000] =	vst v63  }
0x4c: {  	_ = 	snop  }
0x4d: {  	[hbm4b:s21+s2] =	stream.linear.scatter [tilespmem:s22], [sflag:$0x14], $0x4000, $0x38;
	[tilespmem:$0x10000] =	vst v63  }
0x4e: {  	_ =	swait.ge [sflag:s24], $0x4000  }
0x4f: {  	[sflag:s24] =	ssyncset.done $0x0  }
0x50: {  	[sflag:s24] =	ssyncadd.s32 $0xFFFFC000  }
0x51: {  	_ =	swait.ge [sflag:s23], $0x4000  }
0x52: {  	[sflag:s23] =	ssyncset.done $0x0  }
0x53: {  	[sflag:s23] =	ssyncadd.s32 $0xFFFFC000  }
0x54: {  	_ =	swait.ge [sflag:s20], $0x4000  }
0x55: {  	[sflag:s20] =	ssyncset.done $0x0  }
0x56: {  	[sflag:s20] =	ssyncadd.s32 $0xFFFFC000  }
0x57: {  	_ =	swait.ge [sflag:s19], $0x4000  }
0x58: {  	[sflag:s19] =	ssyncset.done $0x0  }
0x59: {  	[sflag:s19] =	ssyncadd.s32 $0xFFFFC000  }
0x5a: {  	_ =	swait.ge [sflag:s14], $0x4000  }
0x5b: {  	[sflag:s14] =	ssyncset.done $0x0  }
0x5c: {  	[sflag:s14] =	ssyncadd.s32 $0xFFFFC000  }
0x5d: {  	_ =	swait.ge [sflag:s13], $0x4000  }
0x5e: {  	[sflag:s13] =	ssyncset.done $0x0  }
0x5f: {  	[sflag:s13] =	ssyncadd.s32 $0xFFFFC000  }
0x60: {  	_ =	swait.ge [sflag:s12], $0x4000  }
0x61: {  	[sflag:s12] =	ssyncset.done $0x0  }
0x62: {  	[sflag:s12] =	ssyncadd.s32 $0xFFFFC000  }
0x63: {  	_ =	swait.ge [sflag:s11], $0x4000  }
0x64: {  	[sflag:s11] =	ssyncset.done $0x0  }
0x65: {  	[sflag:s11] =	ssyncadd.s32 $0xFFFFC000  }
0x66: {  	_ =	swait.ge [sflag:s10], $0x4000  }
0x67: {  	[sflag:s10] =	ssyncset.done $0x0  }
0x68: {  	[sflag:s10] =	ssyncadd.s32 $0xFFFFC000  }
0x69: {  	_ =	swait.ge [sflag:s8], $0x4000  }
0x6a: {  	[sflag:s8] =	ssyncset.done $0x0  }
0x6b: {  	[sflag:s8] =	ssyncadd.s32 $0xFFFFC000  }
0x6c: {  	_ =	swait.ge [sflag:s9], $0x4000  }
0x6d: {  	[sflag:s9] =	ssyncset.done $0x0  }
0x6e: {  	[sflag:s9] =	ssyncadd.s32 $0xFFFFC000  }
0x6f: {  	_ =	swait.ge [sflag:s7], $0x4000  }
0x70: {  	[sflag:s7] =	ssyncset.done $0x0  }
0x71: {  	[sflag:s7] =	ssyncadd.s32 $0xFFFFC000  }
0x72: {  	_ =	swait.ge [sflag:s6], $0x4000  }
0x73: {  	[sflag:s6] =	ssyncset.done $0x0  }
0x74: {  	[sflag:s6] =	ssyncadd.s32 $0xFFFFC000  }
0x75: {  	_ =	swait.ge [sflag:s5], $0x4000  }
0x76: {  	[sflag:s5] =	ssyncset.done $0x0  }
0x77: {  	p1 =	sne.s32 s15, $0x1;
	[sflag:s5] =	ssyncadd.s32 $0xFFFFC000  }
.Ltmp1:
0x78: {  	_ =	swait.ge [sflag:s4], $0x4000;
	(pc) =	sbr.rel @!p1 .LBB2_3-.Ltmp1, $4  }
0x79: {  	[sflag:s4] =	ssyncset.done $0x0  }
0x7a: {  	[sflag:s4] =	ssyncadd.s32 $0xFFFFC000  }
0x7b: {  	p0 =	por $0x1, $0x1;
	_ =	swait.ge [sflag:s3], $0x4000  }
0x7c: {  	s0 =	sadd.s32 $0xFFFFFFFF, s15;
	s1 =	rddreg [dreg:$0x3];
	[sflag:s3] =	ssyncset.done $0x0  }
.LBB2_4:
0x7d: {  	[sflag:s3] =	ssyncadd.s32 $0xFFFFC000  }
0x7e: {  	[tilespmem:s2], [sflag:$0x1] =	stream.linear.gather [hbm4b:s1+s2], $0x4000, $0x38;
	[tilespmem:$0x10000] =	vst v63  }
0x7f: {  	s15 =	rddreg [dreg:$0x4]  }
0x80: {  	[tilespmem:s28], [sflag:$0x2] =	stream.linear.gather [hbm4b:s15+s2], $0x4000, $0x38;
	[tilespmem:$0x10000] =	vst v63  }
0x81: {  	s1 =	rddreg [dreg:$0x5]  }
0x82: {  	[tilespmem:s25], [sflag:$0x3] =	stream.linear.gather [hbm4b:s1+s2], $0x4000, $0x38;
	[tilespmem:$0x10000] =	vst v63  }
0x83: {  	s15 =	rddreg [dreg:$0x6]  }
0x84: {  	[tilespmem:s22], [sflag:$0x4] =	stream.linear.gather [hbm4b:s15+s2], $0x4000, $0x38;
	[tilespmem:$0x10000] =	vst v63  }
0x85: {  	_ =	swait.ge [sflag:s31], $0x4000  }
0x86: {  	[sflag:s31] =	ssyncset.done $0x0  }
0x87: {  	[sflag:s31] =	ssyncadd.s32 $0xFFFFC000  }
0x88: {  	[hbm4b:s16+s2] =	stream.linear.scatter [tilespmem:s2], [sflag:$0x5], $0x4000, $0x38;
	[tilespmem:$0x10000] =	vst v63  }
0x89: {  	s1 =	rddreg [dreg:$0x7]  }
0x8a: {  	[hbm4b:s1+s2] =	stream.linear.scatter [tilespmem:s2], [sflag:$0x6], $0x4000, $0x38;
	[tilespmem:$0x10000] =	vst v63  }
0x8b: {  	s15 =	rddreg [dreg:$0x8]  }
0x8c: {  	[hbm4b:s15+s2] =	stream.linear.scatter [tilespmem:s2], [sflag:$0x7], $0x4000, $0x38;
	[tilespmem:$0x10000] =	vst v63  }
0x8d: {  	s1 =	rddreg [dreg:$0x9]  }
0x8e: {  	[hbm4b:s1+s2] =	stream.linear.scatter [tilespmem:s2], [sflag:$0x8], $0x4000, $0x38;
	[tilespmem:$0x10000] =	vst v63  }
0x8f: {  	_ =	swait.ge [sflag:s30], $0x4000  }
0x90: {  	[sflag:s30] =	ssyncset.done $0x0  }
0x91: {  	s1 =	rddreg [dreg:$0xa];
	[sflag:s30] =	ssyncadd.s32 $0xFFFFC000  }
0x92: {  	[hbm4b:s1+s2] =	stream.linear.scatter [tilespmem:s28], [sflag:$0x9], $0x4000, $0x38;
	[tilespmem:$0x10000] =	vst v63  }
0x93: {  	s15 =	rddreg [dreg:$0xb]  }
0x94: {  	[hbm4b:s15+s2] =	stream.linear.scatter [tilespmem:s28], [sflag:$0xA], $0x4000, $0x38;
	[tilespmem:$0x10000] =	vst v63  }
0x95: {  	s1 =	rddreg [dreg:$0xc]  }
0x96: {  	[hbm4b:s1+s2] =	stream.linear.scatter [tilespmem:s28], [sflag:$0xB], $0x4000, $0x38;
	[tilespmem:$0x10000] =	vst v63  }
0x97: {  	s15 =	rddreg [dreg:$0xd]  }
0x98: {  	[hbm4b:s15+s2] =	stream.linear.scatter [tilespmem:s28], [sflag:$0xC], $0x4000, $0x38;
	[tilespmem:$0x10000] =	vst v63  }
0x99: {  	_ =	swait.ge [sflag:s29], $0x4000  }
0x9a: {  	[sflag:s29] =	ssyncset.done $0x0  }
0x9b: {  	s1 =	rddreg [dreg:$0xe];
	[sflag:s29] =	ssyncadd.s32 $0xFFFFC000  }
0x9c: {  	[hbm4b:s1+s2] =	stream.linear.scatter [tilespmem:s25], [sflag:$0xD], $0x4000, $0x38;
	[tilespmem:$0x10000] =	vst v63  }
0x9d: {  	s15 =	rddreg [dreg:$0xf]  }
0x9e: {  	[hbm4b:s15+s2] =	stream.linear.scatter [tilespmem:s25], [sflag:$0xE], $0x4000, $0x38;
	[tilespmem:$0x10000] =	vst v63  }
0x9f: {  	s1 =	rddreg [dreg:$0x10]  }
0xa0: {  	[hbm4b:s1+s2] =	stream.linear.scatter [tilespmem:s25], [sflag:$0xF], $0x4000, $0x38;
	[tilespmem:$0x10000] =	vst v63  }
0xa1: {  	s15 =	rddreg [dreg:$0x11]  }
0xa2: {  	[hbm4b:s15+s2] =	stream.linear.scatter [tilespmem:s25], [sflag:$0x10], $0x4000, $0x38;
	[tilespmem:$0x10000] =	vst v63  }
0xa3: {  	_ =	swait.ge [sflag:s26], $0x4000  }
0xa4: {  	[sflag:s26] =	ssyncset.done $0x0  }
0xa5: {  	s15 =	rddreg [dreg:$0x12];
	[sflag:s26] =	ssyncadd.s32 $0xFFFFC000  }
0xa6: {  	[hbm4b:s15+s2] =	stream.linear.scatter [tilespmem:s22], [sflag:$0x11], $0x4000, $0x38;
	[tilespmem:$0x10000] =	vst v63  }
0xa7: {  	_ = 	snop  }
0xa8: {  	[hbm4b:s17+s2] =	stream.linear.scatter [tilespmem:s22], [sflag:$0x12], $0x4000, $0x38;
	[tilespmem:$0x10000] =	vst v63  }
0xa9: {  	_ = 	snop  }
0xaa: {  	[hbm4b:s18+s2] =	stream.linear.scatter [tilespmem:s22], [sflag:$0x13], $0x4000, $0x38;
	[tilespmem:$0x10000] =	vst v63  }
0xab: {  	_ = 	snop  }
0xac: {  	[hbm4b:s21+s2] =	stream.linear.scatter [tilespmem:s22], [sflag:$0x14], $0x4000, $0x38;
	[tilespmem:$0x10000] =	vst v63  }
0xad: {  	_ =	swait.ge [sflag:s24], $0x4000  }
0xae: {  	[sflag:s24] =	ssyncset.done $0x0  }
0xaf: {  	[sflag:s24] =	ssyncadd.s32 $0xFFFFC000  }
0xb0: {  	_ =	swait.ge [sflag:s23], $0x4000  }
0xb1: {  	[sflag:s23] =	ssyncset.done $0x0  }
0xb2: {  	[sflag:s23] =	ssyncadd.s32 $0xFFFFC000  }
0xb3: {  	_ =	swait.ge [sflag:s20], $0x4000  }
0xb4: {  	[sflag:s20] =	ssyncset.done $0x0  }
0xb5: {  	[sflag:s20] =	ssyncadd.s32 $0xFFFFC000  }
0xb6: {  	_ =	swait.ge [sflag:s19], $0x4000  }
0xb7: {  	[sflag:s19] =	ssyncset.done $0x0  }
0xb8: {  	[sflag:s19] =	ssyncadd.s32 $0xFFFFC000  }
0xb9: {  	_ =	swait.ge [sflag:s14], $0x4000  }
0xba: {  	[sflag:s14] =	ssyncset.done $0x0  }
0xbb: {  	[sflag:s14] =	ssyncadd.s32 $0xFFFFC000  }
0xbc: {  	_ =	swait.ge [sflag:s13], $0x4000  }
0xbd: {  	[sflag:s13] =	ssyncset.done $0x0  }
0xbe: {  	[sflag:s13] =	ssyncadd.s32 $0xFFFFC000  }
0xbf: {  	_ =	swait.ge [sflag:s12], $0x4000  }
0xc0: {  	[sflag:s12] =	ssyncset.done $0x0  }
0xc1: {  	[sflag:s12] =	ssyncadd.s32 $0xFFFFC000  }
0xc2: {  	_ =	swait.ge [sflag:s11], $0x4000  }
0xc3: {  	[sflag:s11] =	ssyncset.done $0x0  }
0xc4: {  	[sflag:s11] =	ssyncadd.s32 $0xFFFFC000  }
0xc5: {  	_ =	swait.ge [sflag:s10], $0x4000  }
0xc6: {  	[sflag:s10] =	ssyncset.done $0x0  }
0xc7: {  	[sflag:s10] =	ssyncadd.s32 $0xFFFFC000  }
0xc8: {  	_ =	swait.ge [sflag:s8], $0x4000  }
0xc9: {  	[sflag:s8] =	ssyncset.done $0x0  }
0xca: {  	[sflag:s8] =	ssyncadd.s32 $0xFFFFC000  }
0xcb: {  	_ =	swait.ge [sflag:s9], $0x4000  }
0xcc: {  	[sflag:s9] =	ssyncset.done $0x0  }
0xcd: {  	[sflag:s9] =	ssyncadd.s32 $0xFFFFC000  }
0xce: {  	_ =	swait.ge [sflag:s7], $0x4000  }
0xcf: {  	[sflag:s7] =	ssyncset.done $0x0  }
0xd0: {  	[sflag:s7] =	ssyncadd.s32 $0xFFFFC000  }
0xd1: {  	_ =	swait.ge [sflag:s6], $0x4000  }
0xd2: {  	[sflag:s6] =	ssyncset.done $0x0  }
0xd3: {  	[sflag:s6] =	ssyncadd.s32 $0xFFFFC000  }
0xd4: {  	_ =	swait.ge [sflag:s5], $0x4000  }
0xd5: {  	[sflag:s5] =	ssyncset.done $0x0  }
0xd6: {  	p1 =	sne.s32 s0, $0x1;
	[sflag:s5] =	ssyncadd.s32 $0xFFFFC000  }
.Ltmp2:
0xd7: {  	_ =	swait.ge [sflag:s4], $0x4000;
	(pc) =	sbr.rel @p1 .LBB2_4-.Ltmp2, $4  }
0xd8: {  	[sflag:s4] =	ssyncset.done $0x0  }
0xd9: {  	[sflag:s4] =	ssyncadd.s32 $0xFFFFC000  }
0xda: {  	_ =	swait.ge [sflag:s3], $0x4000  }
0xdb: {  	s0 =	sadd.s32 $0xFFFFFFFF, s0;
	s1 =	rddreg [dreg:$0x3];
	[sflag:s3] =	ssyncset.done $0x0  }
0xdc: {  	s16 =	rddreg [dreg:$0x12]  }
0xdd: {  	s15 =	rddreg [dreg:$0x2]  }
.LBB2_6:
0xde: {  	[sflag:s3] =	ssyncadd.s32 @p0 $0xFFFFC000  }
0xdf: {  	[tilespmem:s2], [sflag:$0x1] =	stream.linear.gather [hbm4b:s1+s2], $0x4000, $0x38;
	[tilespmem:$0x10000] =	vst v63  }
0xe0: {  	s0 =	rddreg [dreg:$0x4]  }
0xe1: {  	[tilespmem:s28], [sflag:$0x2] =	stream.linear.gather [hbm4b:s0+s2], $0x4000, $0x38;
	[tilespmem:$0x10000] =	vst v63  }
0xe2: {  	s1 =	rddreg [dreg:$0x5]  }
0xe3: {  	[tilespmem:s25], [sflag:$0x3] =	stream.linear.gather [hbm4b:s1+s2], $0x4000, $0x38;
	[tilespmem:$0x10000] =	vst v63  }
0xe4: {  	s0 =	rddreg [dreg:$0x6]  }
0xe5: {  	[tilespmem:s22], [sflag:$0x4] =	stream.linear.gather [hbm4b:s0+s2], $0x4000, $0x38;
	[tilespmem:$0x10000] =	vst v63  }
0xe6: {  	_ =	swait.ge [sflag:s31], $0x4000  }
0xe7: {  	[sflag:s31] =	ssyncset.done $0x0  }
0xe8: {  	[sflag:s31] =	ssyncadd.s32 $0xFFFFC000;
	s31 =	rddreg [dreg:$0x13]  }
0xe9: {  	[hbm4b:s31+s2] =	stream.linear.scatter [tilespmem:s2], [sflag:$0x5], $0x4000, $0x38;
	[tilespmem:$0x10000] =	vst v63  }
0xea: {  	s0 =	rddreg [dreg:$0x7]  }
0xeb: {  	[hbm4b:s0+s2] =	stream.linear.scatter [tilespmem:s2], [sflag:$0x6], $0x4000, $0x38;
	[tilespmem:$0x10000] =	vst v63  }
0xec: {  	s1 =	rddreg [dreg:$0x8]  }
0xed: {  	[hbm4b:s1+s2] =	stream.linear.scatter [tilespmem:s2], [sflag:$0x7], $0x4000, $0x38;
	[tilespmem:$0x10000] =	vst v63  }
0xee: {  	s31 =	rddreg [dreg:$0x9]  }
0xef: {  	[hbm4b:s31+s2] =	stream.linear.scatter [tilespmem:s2], [sflag:$0x8], $0x4000, $0x38;
	[tilespmem:$0x10000] =	vst v63  }
0xf0: {  	_ =	swait.ge [sflag:s30], $0x4000  }
0xf1: {  	[sflag:s30] =	ssyncset.done $0x0  }
0xf2: {  	s1 =	rddreg [dreg:$0xa];
	[sflag:s30] =	ssyncadd.s32 $0xFFFFC000  }
0xf3: {  	[hbm4b:s1+s2] =	stream.linear.scatter [tilespmem:s28], [sflag:$0x9], $0x4000, $0x38;
	[tilespmem:$0x10000] =	vst v63  }
0xf4: {  	s31 =	rddreg [dreg:$0xb]  }
0xf5: {  	[hbm4b:s31+s2] =	stream.linear.scatter [tilespmem:s28], [sflag:$0xA], $0x4000, $0x38;
	[tilespmem:$0x10000] =	vst v63  }
0xf6: {  	s30 =	rddreg [dreg:$0xc]  }
0xf7: {  	[hbm4b:s30+s2] =	stream.linear.scatter [tilespmem:s28], [sflag:$0xB], $0x4000, $0x38;
	[tilespmem:$0x10000] =	vst v63  }
0xf8: {  	s31 =	rddreg [dreg:$0xd]  }
0xf9: {  	[hbm4b:s31+s2] =	stream.linear.scatter [tilespmem:s28], [sflag:$0xC], $0x4000, $0x38;
	[tilespmem:$0x10000] =	vst v63  }
0xfa: {  	_ =	swait.ge [sflag:s29], $0x4000  }
0xfb: {  	[sflag:s29] =	ssyncset.done $0x0  }
0xfc: {  	s1 =	rddreg [dreg:$0xe];
	[sflag:s29] =	ssyncadd.s32 $0xFFFFC000  }
0xfd: {  	[hbm4b:s1+s2] =	stream.linear.scatter [tilespmem:s25], [sflag:$0xD], $0x4000, $0x38;
	[tilespmem:$0x10000] =	vst v63  }
0xfe: {  	s28 =	rddreg [dreg:$0xf]  }
0xff: {  	[hbm4b:s28+s2] =	stream.linear.scatter [tilespmem:s25], [sflag:$0xE], $0x4000, $0x38;
	[tilespmem:$0x10000] =	vst v63  }
0x100: {  	s29 =	rddreg [dreg:$0x10]  }
0x101: {  	[hbm4b:s29+s2] =	stream.linear.scatter [tilespmem:s25], [sflag:$0xF], $0x4000, $0x38;
	[tilespmem:$0x10000] =	vst v63  }
0x102: {  	s30 =	rddreg [dreg:$0x11]  }
0x103: {  	[hbm4b:s30+s2] =	stream.linear.scatter [tilespmem:s25], [sflag:$0x10], $0x4000, $0x38;
	[tilespmem:$0x10000] =	vst v63  }
0x104: {  	_ =	swait.ge [sflag:s26], $0x4000  }
0x105: {  	[sflag:s26] =	ssyncset.done $0x0  }
0x106: {  	[sflag:s26] =	ssyncadd.s32 $0xFFFFC000  }
0x107: {  	[hbm4b:s16+s2] =	stream.linear.scatter [tilespmem:s22], [sflag:$0x11], $0x4000, $0x38;
	[tilespmem:$0x10000] =	vst v63  }
0x108: {  	_ = 	snop  }
0x109: {  	[hbm4b:s17+s2] =	stream.linear.scatter [tilespmem:s22], [sflag:$0x12], $0x4000, $0x38;
	[tilespmem:$0x10000] =	vst v63  }
0x10a: {  	_ = 	snop  }
0x10b: {  	[hbm4b:s18+s2] =	stream.linear.scatter [tilespmem:s22], [sflag:$0x13], $0x4000, $0x38;
	[tilespmem:$0x10000] =	vst v63  }
0x10c: {  	_ = 	snop  }
0x10d: {  	[hbm4b:s21+s2] =	stream.linear.scatter [tilespmem:s22], [sflag:$0x14], $0x4000, $0x38;
	[tilespmem:$0x10000] =	vst v63  }
0x10e: {  	_ =	swait.ge [sflag:s24], $0x4000  }
0x10f: {  	[sflag:s24] =	ssyncset.done $0x0  }
0x110: {  	[sflag:s24] =	ssyncadd.s32 $0xFFFFC000  }
0x111: {  	_ =	swait.ge [sflag:s23], $0x4000  }
0x112: {  	[sflag:s23] =	ssyncset.done $0x0  }
0x113: {  	[sflag:s23] =	ssyncadd.s32 $0xFFFFC000  }
0x114: {  	_ =	swait.ge [sflag:s20], $0x4000  }
0x115: {  	[sflag:s20] =	ssyncset.done $0x0  }
0x116: {  	[sflag:s20] =	ssyncadd.s32 $0xFFFFC000  }
0x117: {  	_ =	swait.ge [sflag:s19], $0x4000  }
0x118: {  	[sflag:s19] =	ssyncset.done $0x0  }
0x119: {  	[sflag:s19] =	ssyncadd.s32 $0xFFFFC000  }
0x11a: {  	_ =	swait.ge [sflag:s14], $0x4000  }
0x11b: {  	[sflag:s14] =	ssyncset.done $0x0  }
0x11c: {  	[sflag:s14] =	ssyncadd.s32 $0xFFFFC000  }
0x11d: {  	_ =	swait.ge [sflag:s13], $0x4000  }
0x11e: {  	[sflag:s13] =	ssyncset.done $0x0  }
0x11f: {  	[sflag:s13] =	ssyncadd.s32 $0xFFFFC000  }
0x120: {  	_ =	swait.ge [sflag:s12], $0x4000  }
0x121: {  	[sflag:s12] =	ssyncset.done $0x0  }
0x122: {  	[sflag:s12] =	ssyncadd.s32 $0xFFFFC000  }
0x123: {  	_ =	swait.ge [sflag:s11], $0x4000  }
0x124: {  	[sflag:s11] =	ssyncset.done $0x0  }
0x125: {  	[sflag:s11] =	ssyncadd.s32 $0xFFFFC000  }
0x126: {  	_ =	swait.ge [sflag:s10], $0x4000  }
0x127: {  	[sflag:s10] =	ssyncset.done $0x0  }
0x128: {  	[sflag:s10] =	ssyncadd.s32 $0xFFFFC000  }
0x129: {  	_ =	swait.ge [sflag:s8], $0x4000  }
0x12a: {  	[sflag:s8] =	ssyncset.done $0x0  }
0x12b: {  	[sflag:s8] =	ssyncadd.s32 $0xFFFFC000  }
0x12c: {  	_ =	swait.ge [sflag:s9], $0x4000  }
0x12d: {  	[sflag:s9] =	ssyncset.done $0x0  }
0x12e: {  	[sflag:s9] =	ssyncadd.s32 $0xFFFFC000  }
0x12f: {  	_ =	swait.ge [sflag:s7], $0x4000  }
0x130: {  	[sflag:s7] =	ssyncset.done $0x0  }
0x131: {  	[sflag:s7] =	ssyncadd.s32 $0xFFFFC000  }
0x132: {  	_ =	swait.ge [sflag:s6], $0x4000  }
0x133: {  	[sflag:s6] =	ssyncset.done $0x0  }
0x134: {  	[sflag:s6] =	ssyncadd.s32 $0xFFFFC000  }
0x135: {  	_ =	swait.ge [sflag:s5], $0x4000  }
0x136: {  	[sflag:s5] =	ssyncset.done $0x0  }
0x137: {  	[sflag:s5] =	ssyncadd.s32 $0xFFFFC000  }
0x138: {  	_ =	swait.ge [sflag:s4], $0x4000  }
0x139: {  	[sflag:s4] =	ssyncset.done $0x0  }
0x13a: {  	[sflag:s4] =	ssyncadd.s32 $0xFFFFC000  }
0x13b: {  	_ =	swait.ge [sflag:s3], $0x4000  }
0x13c: {  	[sflag:s3] =	ssyncset.done $0x0  }
0x13d: {  	[sflag:s3] =	ssyncadd.s32 $0xFFFFC000  }
0x13e: {  	_ =	sfence.sel $0x180000  }
0x13f: {  	s31 =	stileid.u32;
	[bflag:$0x0] =	sbarrier.arrive $0xFFFF  }
0x140: {  	p0 =	sne.s32 s31, $0x0;
	_ =	strace $0x90000047  }
0x141: {  	s0 =	sadd.s32 @!p0 $0x100000, s15;
	[bflag:$0x2] =	sbarrier.arrive $0xFFFF  }
0x142: {  	[sflag:s0] =	ssyncadd.tile.s32 @!p0 $0x1;
	_ =	shalt  }
.LBB2_1:
.Ltmp3:
0x143: {  	(pc) =	sbr.rel .LBB2_6-.Ltmp3, $2  }
0x144: {  	_ =	sdelay $0x2  }
0x145: {  	s16 =	rddreg [dreg:$0x12]  }
.LBB2_3:
.Ltmp4:
0x146: {  	(pc) =	sbr.rel .LBB2_6-.Ltmp4, $3  }
0x147: {  	_ =	sdelay $0x1  }
0x148: {  	s16 =	rddreg [dreg:$0x12]  }
0x149: {  	s15 =	rddreg [dreg:$0x2]  }
.Lfunc_end2:
_tile_overlayer_lowered:
.L_overlay_start_2:
0x14a: {  	(tag) =	ssettag $0x2  }
0x14b: {  	s0 =	rddreg [dreg:$0x0];
	s2 =	stileid.u32  }
0x14c: {  	s1 =	rddreg [dreg:$0x1];
	p0 =	sne.s32 s2, $0x0  }
0x14d: {  	s3 =	rddreg [dreg:$0x2];
	[bflag:$0x3] =	sbarrier.arrive $0xFFFF;
	s2 =	simm.s32 @!p0 $0x1C15  }
0x14e: {  	[timem:s3], [sflag:s2] =	dma.local @!p0 [hbm:s0], s1  }
0x14f: {  	s0 =	simm.s32 @!p0 $0x15  }
0x150: {  	_ =	swait.ge @!p0 [sflag:s0], s1  }
0x151: {  	s1 =	ssub.s32 @!p0 $0x0, s1;
	[sflag:s0] =	ssyncset.done @!p0 $0x0  }
0x152: {  	[sflag:s0] =	ssyncadd.s32 @!p0 s1  }
0x153: {  	[bflag:$0x3] =	sbarrier.arrive $0xFFFF  }
0x154: {  	_ =	shalt  }

</sc_bundles>
